<compile_context>
chip_gen: v7x
topology: tpu7x:2x2x1
jax: 0.10.2.dev20260603
libtpu: 0.0.44.dev20260713+nightly
codegen_flags: <defaults>
</compile_context>

<pallas_src>
import functools

import jax
import jax.numpy as jnp
from jax import lax
from jax.experimental import pallas as pl
from jax.experimental.pallas import tpu as pltpu
from jax.experimental.pallas import tpu_sc as plsc

D_MODEL = 128
MAX_LEN = 100
N_EDGES = 320000

_NUM_CORES = 2
_NUM_SUBCORES = 16
_NW = _NUM_CORES * _NUM_SUBCORES
_B_PER_W = N_EDGES // _NW
_CH = 80
_NCH = _B_PER_W // _CH
_NBUF = 5
_LAG = 2

_mesh = plsc.VectorSubcoreMesh(core_axis_name="c", subcore_axis_name="s")


@functools.partial(
    pl.kernel,
    mesh=_mesh,
    out_type=jax.ShapeDtypeStruct((N_EDGES, D_MODEL), jnp.float32),
    scratch_types=(
        [pltpu.VMEM((_CH,), jnp.int32) for _ in range(_NBUF)]
        + [pltpu.VMEM((_CH, D_MODEL), jnp.float32) for _ in range(_NBUF)]
        + [pltpu.VMEM_SHARED((MAX_LEN, D_MODEL), jnp.float32)]
        + [pltpu.SemaphoreType.DMA for _ in range(3 * _NBUF)]
    ),
)
def _pe_gather(idx_hbm, table_hbm, out_hbm, *refs):
    idxs = refs[0:_NBUF]
    rowss = refs[_NBUF:2 * _NBUF]
    table_v = refs[2 * _NBUF]
    si = refs[2 * _NBUF + 1: 2 * _NBUF + 1 + _NBUF]
    sg = refs[2 * _NBUF + 1 + _NBUF: 2 * _NBUF + 1 + 2 * _NBUF]
    sw = refs[2 * _NBUF + 1 + 2 * _NBUF: 2 * _NBUF + 1 + 3 * _NBUF]

    wid = lax.axis_index("s") * _NUM_CORES + lax.axis_index("c")
    base = wid * _B_PER_W

    @pl.when(lax.axis_index("s") == 0)
    def _stage_table():
        pltpu.sync_copy(table_hbm, table_v)

    plsc.subcore_barrier()

    def fire_idx(slot, off):
        pltpu.async_copy(idx_hbm.at[pl.ds(off, _CH)], idxs[slot], si[slot])

    def wait_idx(slot, off):
        pltpu.make_async_copy(
            idx_hbm.at[pl.ds(off, _CH)], idxs[slot], si[slot]).wait()

    def fire_gather(slot):
        pltpu.async_copy(table_v.at[idxs[slot]], rowss[slot], sg[slot])

    def wait_gather(slot):
        pltpu.make_async_copy(
            table_v.at[idxs[slot]], rowss[slot], sg[slot]).wait()

    def fire_write(slot, off):
        pltpu.async_copy(rowss[slot], out_hbm.at[pl.ds(off, _CH)], sw[slot])

    def wait_write(slot, off):
        pltpu.make_async_copy(
            rowss[slot], out_hbm.at[pl.ds(off, _CH)], sw[slot]).wait()

    for b in range(_NBUF):
        fire_idx(b, base + b * _CH)

    for c in range(_LAG):
        wait_idx(c, base + c * _CH)
        fire_gather(c)
    for c in range(_LAG, _NBUF):
        b, bp = c % _NBUF, (c - _LAG) % _NBUF
        wait_idx(b, base + c * _CH)
        fire_gather(b)
        wait_gather(bp)
        fire_write(bp, base + (c - _LAG) * _CH)
        fire_idx(bp, base + (c + _NBUF - _LAG) * _CH)

    def round_(k, carry):
        for b in range(_NBUF):
            bp = (b - _LAG) % _NBUF
            c = k * _NBUF + b
            off = base + c * _CH
            wait_idx(b, off)
            wait_write(b, off - _NBUF * _CH)
            fire_gather(b)
            wait_gather(bp)
            fire_write(bp, off - _LAG * _CH)
            p = jnp.where(c + _NBUF - _LAG < _NCH, c + _NBUF - _LAG, c - _LAG)
            fire_idx(bp, base + p * _CH)
        return carry

    lax.fori_loop(1, _NCH // _NBUF, round_, 0)

    for c in range(_NCH - _LAG, _NCH):
        b = c % _NBUF
        wait_gather(b)
        fire_write(b, base + c * _CH)
    for c in range(_NCH - _NBUF, _NCH):
        b = c % _NBUF
        wait_write(b, base + c * _CH)
    for c in range(_NCH - _NBUF + _LAG, _NCH):
        bp = (c - _LAG) % _NBUF
        wait_idx(bp, base + (c - _LAG) * _CH)


def kernel(edge_type, pe):
    return _pe_gather(edge_type.astype(jnp.int32), pe)

# --- scband reference (transcript-rebuilt; emitter-appended) ---
"""Pipeline reference for scband-positional-encoding-sine-cosine-25769804011 (READ-ONLY COPY).

The authoritative reference and input builder live on the scoring server;
editing this copy changes nothing except your own understanding.
"""

import jax, jax.numpy as jnp
import numpy as np

D_MODEL = 128
MAX_LEN = 100
N_EDGES = 320000

def make_pe(d_model, max_len):
    position = np.arange(0, max_len, dtype=np.float32)[:, None]
    div_term = np.exp(np.arange(0, d_model, 2).astype(np.float32) * (-np.log(10000.0) / d_model))
    pe = np.zeros((max_len, d_model), dtype=np.float32)
    pe[:, 0::2] = np.sin(position * div_term)
    pe[:, 1::2] = np.cos(position * div_term)
    return jnp.asarray(pe)

def setup_inputs(seed: int = 0) -> dict:
    key = jax.random.key(seed)
    edge_type = jax.random.randint(key, (N_EDGES,), 0, MAX_LEN, dtype=jnp.int64 if jax.config.jax_enable_x64 else jnp.int32)
    pe = make_pe(D_MODEL, MAX_LEN)
    return {"edge_type": edge_type, "pe": pe}

def reference(edge_type, pe):
    # pe[edge_type] : gather rows of the sine-cosine positional table
    return jnp.take(pe, edge_type, axis=0)

if __name__ == "__main__":
    import jax
    _d = setup_inputs()
    print(jax.jit(kernel)(*tuple(_d.values())))

</pallas_src>

<mosaic_0001>
#map = affine_map<(d0, d1) -> (0)>
#map1 = affine_map<(d0, d1) -> (0, 0)>
module attributes {stable_mosaic.version = 14 : i64} {
  func.func @_pe_gather(%arg0: i32, %arg1: i32, %arg2: memref<320000xi32, #tpu.memory_space<hbm>>, %arg3: memref<100x128xf32, #tpu.memory_space<hbm>>, %arg4: memref<320000x128xf32, #tpu.memory_space<hbm>>, %arg5: memref<80xi32, #tpu.memory_space<vmem>>, %arg6: memref<80xi32, #tpu.memory_space<vmem>>, %arg7: memref<80xi32, #tpu.memory_space<vmem>>, %arg8: memref<80xi32, #tpu.memory_space<vmem>>, %arg9: memref<80xi32, #tpu.memory_space<vmem>>, %arg10: memref<80x128xf32, #tpu.memory_space<vmem>>, %arg11: memref<80x128xf32, #tpu.memory_space<vmem>>, %arg12: memref<80x128xf32, #tpu.memory_space<vmem>>, %arg13: memref<80x128xf32, #tpu.memory_space<vmem>>, %arg14: memref<80x128xf32, #tpu.memory_space<vmem>>, %arg15: memref<100x128xf32, #tpu.memory_space<vmem_shared>>, %arg16: memref<!tpu.dma_semaphore, #tpu.memory_space<semaphore_mem>>, %arg17: memref<!tpu.dma_semaphore, #tpu.memory_space<semaphore_mem>>, %arg18: memref<!tpu.dma_semaphore, #tpu.memory_space<semaphore_mem>>, %arg19: memref<!tpu.dma_semaphore, #tpu.memory_space<semaphore_mem>>, %arg20: memref<!tpu.dma_semaphore, #tpu.memory_space<semaphore_mem>>, %arg21: memref<!tpu.dma_semaphore, #tpu.memory_space<semaphore_mem>>, %arg22: memref<!tpu.dma_semaphore, #tpu.memory_space<semaphore_mem>>, %arg23: memref<!tpu.dma_semaphore, #tpu.memory_space<semaphore_mem>>, %arg24: memref<!tpu.dma_semaphore, #tpu.memory_space<semaphore_mem>>, %arg25: memref<!tpu.dma_semaphore, #tpu.memory_space<semaphore_mem>>, %arg26: memref<!tpu.dma_semaphore, #tpu.memory_space<semaphore_mem>>, %arg27: memref<!tpu.dma_semaphore, #tpu.memory_space<semaphore_mem>>, %arg28: memref<!tpu.dma_semaphore, #tpu.memory_space<semaphore_mem>>, %arg29: memref<!tpu.dma_semaphore, #tpu.memory_space<semaphore_mem>>, %arg30: memref<!tpu.dma_semaphore, #tpu.memory_space<semaphore_mem>>) attributes {dimension_semantics = [#tpu.dimension_semantics<core_parallel>, #tpu.dimension_semantics<subcore_parallel>], iteration_bounds = array<i64: 2, 16>, scalar_prefetch = 0 : i64, scratch_operands = 26 : i64, tpu.core_type = #tpu.core_type<sc_vector_subcore>, window_params = [{transform_indices = #map}, {transform_indices = #map1}, {transform_indices = #map1}]} {
    %mul3A = arith.constant 2 : i32
    %mul3A_0 = arith.muli %arg1, %mul3A : i32
    %add3A = arith.addi %mul3A_0, %arg0 : i32
    %mul3A_1 = arith.constant 10000 : i32
    %mul3A_2 = arith.muli %add3A, %mul3A_1 : i32
    %eq3A = arith.constant 0 : i32
    %eq3A_3 = arith.cmpi eq, %arg1, %eq3A : i32
    %convert_element_type3A = arith.extui %eq3A_3 : i1 to i32
    %cond3A = arith.constant 0 : i32
    %cond3A_4 = arith.cmpi ne, %convert_element_type3A, %cond3A : i32
    scf.if %cond3A_4 {
      "tpu.region"() ({
        %run_scoped3A = tpu.sem_alloc : memref<!tpu.dma_semaphore, #tpu.memory_space<semaphore_mem>>
        tpu.enqueue_dma source(%arg3 : memref<100x128xf32, #tpu.memory_space<hbm>>) target(%arg15 : memref<100x128xf32, #tpu.memory_space<vmem_shared>>) target_semaphore(%run_scoped3A : memref<!tpu.dma_semaphore, #tpu.memory_space<semaphore_mem>>)
        tpu.wait_dma2 semaphore(%run_scoped3A : memref<!tpu.dma_semaphore, #tpu.memory_space<semaphore_mem>>) src(%arg3 : memref<100x128xf32, #tpu.memory_space<hbm>>) dst(%arg15 : memref<100x128xf32, #tpu.memory_space<vmem_shared>>)
        tpu.yield
      }) : () -> ()
    } else {
    }
    %barrier3A = arith.constant 0 : index
    tpu.barrier barrier_id(%barrier3A)
    %add3A_5 = arith.constant 0 : i32
    %add3A_6 = arith.addi %mul3A_2, %add3A_5 : i32
    %dma_start3A = tpu.memref_slice %arg2[%add3A_6] : memref<320000xi32, #tpu.memory_space<hbm>> -> memref<80xi32, #tpu.memory_space<hbm>>
    %dma_start3A_7 = tpu.memref_slice %arg2[%add3A_6] : memref<320000xi32, #tpu.memory_space<hbm>> -> memref<80xi32, #tpu.memory_space<hbm>>
    tpu.enqueue_dma source(%dma_start3A_7 : memref<80xi32, #tpu.memory_space<hbm>>) target(%arg5 : memref<80xi32, #tpu.memory_space<vmem>>) target_semaphore(%arg16 : memref<!tpu.dma_semaphore, #tpu.memory_space<semaphore_mem>>)
    %add3A_8 = arith.constant 80 : i32
    %add3A_9 = arith.addi %mul3A_2, %add3A_8 : i32
    %dma_start3A_10 = tpu.memref_slice %arg2[%add3A_9] : memref<320000xi32, #tpu.memory_space<hbm>> -> memref<80xi32, #tpu.memory_space<hbm>>
    %dma_start3A_11 = tpu.memref_slice %arg2[%add3A_9] : memref<320000xi32, #tpu.memory_space<hbm>> -> memref<80xi32, #tpu.memory_space<hbm>>
    tpu.enqueue_dma source(%dma_start3A_11 : memref<80xi32, #tpu.memory_space<hbm>>) target(%arg6 : memref<80xi32, #tpu.memory_space<vmem>>) target_semaphore(%arg17 : memref<!tpu.dma_semaphore, #tpu.memory_space<semaphore_mem>>)
    %add3A_12 = arith.constant 160 : i32
    %add3A_13 = arith.addi %mul3A_2, %add3A_12 : i32
    %dma_start3A_14 = tpu.memref_slice %arg2[%add3A_13] : memref<320000xi32, #tpu.memory_space<hbm>> -> memref<80xi32, #tpu.memory_space<hbm>>
    %dma_start3A_15 = tpu.memref_slice %arg2[%add3A_13] : memref<320000xi32, #tpu.memory_space<hbm>> -> memref<80xi32, #tpu.memory_space<hbm>>
    tpu.enqueue_dma source(%dma_start3A_15 : memref<80xi32, #tpu.memory_space<hbm>>) target(%arg7 : memref<80xi32, #tpu.memory_space<vmem>>) target_semaphore(%arg18 : memref<!tpu.dma_semaphore, #tpu.memory_space<semaphore_mem>>)
    %add3A_16 = arith.constant 240 : i32
    %add3A_17 = arith.addi %mul3A_2, %add3A_16 : i32
    %dma_start3A_18 = tpu.memref_slice %arg2[%add3A_17] : memref<320000xi32, #tpu.memory_space<hbm>> -> memref<80xi32, #tpu.memory_space<hbm>>
    %dma_start3A_19 = tpu.memref_slice %arg2[%add3A_17] : memref<320000xi32, #tpu.memory_space<hbm>> -> memref<80xi32, #tpu.memory_space<hbm>>
    tpu.enqueue_dma source(%dma_start3A_19 : memref<80xi32, #tpu.memory_space<hbm>>) target(%arg8 : memref<80xi32, #tpu.memory_space<vmem>>) target_semaphore(%arg19 : memref<!tpu.dma_semaphore, #tpu.memory_space<semaphore_mem>>)
    %add3A_20 = arith.constant 320 : i32
    %add3A_21 = arith.addi %mul3A_2, %add3A_20 : i32
    %dma_start3A_22 = tpu.memref_slice %arg2[%add3A_21] : memref<320000xi32, #tpu.memory_space<hbm>> -> memref<80xi32, #tpu.memory_space<hbm>>
    %dma_start3A_23 = tpu.memref_slice %arg2[%add3A_21] : memref<320000xi32, #tpu.memory_space<hbm>> -> memref<80xi32, #tpu.memory_space<hbm>>
    tpu.enqueue_dma source(%dma_start3A_23 : memref<80xi32, #tpu.memory_space<hbm>>) target(%arg9 : memref<80xi32, #tpu.memory_space<vmem>>) target_semaphore(%arg20 : memref<!tpu.dma_semaphore, #tpu.memory_space<semaphore_mem>>)
    %add3A_24 = arith.constant 0 : i32
    %add3A_25 = arith.addi %mul3A_2, %add3A_24 : i32
    %dma_wait3A = tpu.memref_slice %arg2[%add3A_25] : memref<320000xi32, #tpu.memory_space<hbm>> -> memref<80xi32, #tpu.memory_space<hbm>>
    %dma_wait3A_26 = tpu.memref_slice %arg2[%add3A_25] : memref<320000xi32, #tpu.memory_space<hbm>> -> memref<80xi32, #tpu.memory_space<hbm>>
    tpu.wait_dma2 semaphore(%arg16 : memref<!tpu.dma_semaphore, #tpu.memory_space<semaphore_mem>>) src(%dma_wait3A_26 : memref<80xi32, #tpu.memory_space<hbm>>) dst(%arg5 : memref<80xi32, #tpu.memory_space<vmem>>)
    %dma_start3A_27 = arith.constant 0 : i32
    %dma_start3A_28 = arith.constant 0 : i32
    %dma_start3A_29 = tpu.memref_slice %arg15[%dma_start3A_27, %dma_start3A_28] : memref<100x128xf32, #tpu.memory_space<vmem_shared>> -> memref<100x128xf32, #tpu.memory_space<vmem_shared>>
    tpu.enqueue_indirect_dma source(%dma_start3A_29 : memref<100x128xf32, #tpu.memory_space<vmem_shared>>) target(%arg10 : memref<80x128xf32, #tpu.memory_space<vmem>>) offsets(%arg5 : memref<80xi32, #tpu.memory_space<vmem>>) semaphore(%arg21 : memref<!tpu.dma_semaphore, #tpu.memory_space<semaphore_mem>>)
    %add3A_30 = arith.constant 80 : i32
    %add3A_31 = arith.addi %mul3A_2, %add3A_30 : i32
    %dma_wait3A_32 = tpu.memref_slice %arg2[%add3A_31] : memref<320000xi32, #tpu.memory_space<hbm>> -> memref<80xi32, #tpu.memory_space<hbm>>
    %dma_wait3A_33 = tpu.memref_slice %arg2[%add3A_31] : memref<320000xi32, #tpu.memory_space<hbm>> -> memref<80xi32, #tpu.memory_space<hbm>>
    tpu.wait_dma2 semaphore(%arg17 : memref<!tpu.dma_semaphore, #tpu.memory_space<semaphore_mem>>) src(%dma_wait3A_33 : memref<80xi32, #tpu.memory_space<hbm>>) dst(%arg6 : memref<80xi32, #tpu.memory_space<vmem>>)
    %dma_start3A_34 = arith.constant 0 : i32
    %dma_start3A_35 = arith.constant 0 : i32
    %dma_start3A_36 = tpu.memref_slice %arg15[%dma_start3A_34, %dma_start3A_35] : memref<100x128xf32, #tpu.memory_space<vmem_shared>> -> memref<100x128xf32, #tpu.memory_space<vmem_shared>>
    tpu.enqueue_indirect_dma source(%dma_start3A_36 : memref<100x128xf32, #tpu.memory_space<vmem_shared>>) target(%arg11 : memref<80x128xf32, #tpu.memory_space<vmem>>) offsets(%arg6 : memref<80xi32, #tpu.memory_space<vmem>>) semaphore(%arg22 : memref<!tpu.dma_semaphore, #tpu.memory_space<semaphore_mem>>)
    %add3A_37 = arith.constant 160 : i32
    %add3A_38 = arith.addi %mul3A_2, %add3A_37 : i32
    %dma_wait3A_39 = tpu.memref_slice %arg2[%add3A_38] : memref<320000xi32, #tpu.memory_space<hbm>> -> memref<80xi32, #tpu.memory_space<hbm>>
    %dma_wait3A_40 = tpu.memref_slice %arg2[%add3A_38] : memref<320000xi32, #tpu.memory_space<hbm>> -> memref<80xi32, #tpu.memory_space<hbm>>
    tpu.wait_dma2 semaphore(%arg18 : memref<!tpu.dma_semaphore, #tpu.memory_space<semaphore_mem>>) src(%dma_wait3A_40 : memref<80xi32, #tpu.memory_space<hbm>>) dst(%arg7 : memref<80xi32, #tpu.memory_space<vmem>>)
    %dma_start3A_41 = arith.constant 0 : i32
    %dma_start3A_42 = arith.constant 0 : i32
    %dma_start3A_43 = tpu.memref_slice %arg15[%dma_start3A_41, %dma_start3A_42] : memref<100x128xf32, #tpu.memory_space<vmem_shared>> -> memref<100x128xf32, #tpu.memory_space<vmem_shared>>
    tpu.enqueue_indirect_dma source(%dma_start3A_43 : memref<100x128xf32, #tpu.memory_space<vmem_shared>>) target(%arg12 : memref<80x128xf32, #tpu.memory_space<vmem>>) offsets(%arg7 : memref<80xi32, #tpu.memory_space<vmem>>) semaphore(%arg23 : memref<!tpu.dma_semaphore, #tpu.memory_space<semaphore_mem>>)
    %dma_wait3A_44 = arith.constant 0 : i32
    %dma_wait3A_45 = arith.constant 0 : i32
    %dma_wait3A_46 = tpu.memref_slice %arg15[%dma_wait3A_44, %dma_wait3A_45] : memref<100x128xf32, #tpu.memory_space<vmem_shared>> -> memref<100x128xf32, #tpu.memory_space<vmem_shared>>
    tpu.wait_indirect_dma semaphore(%arg21 : memref<!tpu.dma_semaphore, #tpu.memory_space<semaphore_mem>>) src(%dma_wait3A_46 : memref<100x128xf32, #tpu.memory_space<vmem_shared>>) dst(%arg10 : memref<80x128xf32, #tpu.memory_space<vmem>>)
    %add3A_47 = arith.constant 0 : i32
    %add3A_48 = arith.addi %mul3A_2, %add3A_47 : i32
    %dma_start3A_49 = arith.constant 0 : i32
    %dma_start3A_50 = tpu.memref_slice %arg4[%add3A_48, %dma_start3A_49] : memref<320000x128xf32, #tpu.memory_space<hbm>> -> memref<80x128xf32, #tpu.memory_space<hbm>>
    %dma_start3A_51 = arith.constant 0 : i32
    %dma_start3A_52 = tpu.memref_slice %arg4[%add3A_48, %dma_start3A_51] : memref<320000x128xf32, #tpu.memory_space<hbm>> -> memref<80x128xf32, #tpu.memory_space<hbm>>
    tpu.enqueue_dma source(%arg10 : memref<80x128xf32, #tpu.memory_space<vmem>>) target(%dma_start3A_52 : memref<80x128xf32, #tpu.memory_space<hbm>>) target_semaphore(%arg26 : memref<!tpu.dma_semaphore, #tpu.memory_space<semaphore_mem>>)
    %add3A_53 = arith.constant 400 : i32
    %add3A_54 = arith.addi %mul3A_2, %add3A_53 : i32
    %dma_start3A_55 = tpu.memref_slice %arg2[%add3A_54] : memref<320000xi32, #tpu.memory_space<hbm>> -> memref<80xi32, #tpu.memory_space<hbm>>
    %dma_start3A_56 = tpu.memref_slice %arg2[%add3A_54] : memref<320000xi32, #tpu.memory_space<hbm>> -> memref<80xi32, #tpu.memory_space<hbm>>
    tpu.enqueue_dma source(%dma_start3A_56 : memref<80xi32, #tpu.memory_space<hbm>>) target(%arg5 : memref<80xi32, #tpu.memory_space<vmem>>) target_semaphore(%arg16 : memref<!tpu.dma_semaphore, #tpu.memory_space<semaphore_mem>>)
    %add3A_57 = arith.constant 240 : i32
    %add3A_58 = arith.addi %mul3A_2, %add3A_57 : i32
    %dma_wait3A_59 = tpu.memref_slice %arg2[%add3A_58] : memref<320000xi32, #tpu.memory_space<hbm>> -> memref<80xi32, #tpu.memory_space<hbm>>
    %dma_wait3A_60 = tpu.memref_slice %arg2[%add3A_58] : memref<320000xi32, #tpu.memory_space<hbm>> -> memref<80xi32, #tpu.memory_space<hbm>>
    tpu.wait_dma2 semaphore(%arg19 : memref<!tpu.dma_semaphore, #tpu.memory_space<semaphore_mem>>) src(%dma_wait3A_60 : memref<80xi32, #tpu.memory_space<hbm>>) dst(%arg8 : memref<80xi32, #tpu.memory_space<vmem>>)
    %dma_start3A_61 = arith.constant 0 : i32
    %dma_start3A_62 = arith.constant 0 : i32
    %dma_start3A_63 = tpu.memref_slice %arg15[%dma_start3A_61, %dma_start3A_62] : memref<100x128xf32, #tpu.memory_space<vmem_shared>> -> memref<100x128xf32, #tpu.memory_space<vmem_shared>>
    tpu.enqueue_indirect_dma source(%dma_start3A_63 : memref<100x128xf32, #tpu.memory_space<vmem_shared>>) target(%arg13 : memref<80x128xf32, #tpu.memory_space<vmem>>) offsets(%arg8 : memref<80xi32, #tpu.memory_space<vmem>>) semaphore(%arg24 : memref<!tpu.dma_semaphore, #tpu.memory_space<semaphore_mem>>)
    %dma_wait3A_64 = arith.constant 0 : i32
    %dma_wait3A_65 = arith.constant 0 : i32
    %dma_wait3A_66 = tpu.memref_slice %arg15[%dma_wait3A_64, %dma_wait3A_65] : memref<100x128xf32, #tpu.memory_space<vmem_shared>> -> memref<100x128xf32, #tpu.memory_space<vmem_shared>>
    tpu.wait_indirect_dma semaphore(%arg22 : memref<!tpu.dma_semaphore, #tpu.memory_space<semaphore_mem>>) src(%dma_wait3A_66 : memref<100x128xf32, #tpu.memory_space<vmem_shared>>) dst(%arg11 : memref<80x128xf32, #tpu.memory_space<vmem>>)
    %add3A_67 = arith.constant 80 : i32
    %add3A_68 = arith.addi %mul3A_2, %add3A_67 : i32
    %dma_start3A_69 = arith.constant 0 : i32
    %dma_start3A_70 = tpu.memref_slice %arg4[%add3A_68, %dma_start3A_69] : memref<320000x128xf32, #tpu.memory_space<hbm>> -> memref<80x128xf32, #tpu.memory_space<hbm>>
    %dma_start3A_71 = arith.constant 0 : i32
    %dma_start3A_72 = tpu.memref_slice %arg4[%add3A_68, %dma_start3A_71] : memref<320000x128xf32, #tpu.memory_space<hbm>> -> memref<80x128xf32, #tpu.memory_space<hbm>>
    tpu.enqueue_dma source(%arg11 : memref<80x128xf32, #tpu.memory_space<vmem>>) target(%dma_start3A_72 : memref<80x128xf32, #tpu.memory_space<hbm>>) target_semaphore(%arg27 : memref<!tpu.dma_semaphore, #tpu.memory_space<semaphore_mem>>)
    %add3A_73 = arith.constant 480 : i32
    %add3A_74 = arith.addi %mul3A_2, %add3A_73 : i32
    %dma_start3A_75 = tpu.memref_slice %arg2[%add3A_74] : memref<320000xi32, #tpu.memory_space<hbm>> -> memref<80xi32, #tpu.memory_space<hbm>>
    %dma_start3A_76 = tpu.memref_slice %arg2[%add3A_74] : memref<320000xi32, #tpu.memory_space<hbm>> -> memref<80xi32, #tpu.memory_space<hbm>>
    tpu.enqueue_dma source(%dma_start3A_76 : memref<80xi32, #tpu.memory_space<hbm>>) target(%arg6 : memref<80xi32, #tpu.memory_space<vmem>>) target_semaphore(%arg17 : memref<!tpu.dma_semaphore, #tpu.memory_space<semaphore_mem>>)
    %add3A_77 = arith.constant 320 : i32
    %add3A_78 = arith.addi %mul3A_2, %add3A_77 : i32
    %dma_wait3A_79 = tpu.memref_slice %arg2[%add3A_78] : memref<320000xi32, #tpu.memory_space<hbm>> -> memref<80xi32, #tpu.memory_space<hbm>>
    %dma_wait3A_80 = tpu.memref_slice %arg2[%add3A_78] : memref<320000xi32, #tpu.memory_space<hbm>> -> memref<80xi32, #tpu.memory_space<hbm>>
    tpu.wait_dma2 semaphore(%arg20 : memref<!tpu.dma_semaphore, #tpu.memory_space<semaphore_mem>>) src(%dma_wait3A_80 : memref<80xi32, #tpu.memory_space<hbm>>) dst(%arg9 : memref<80xi32, #tpu.memory_space<vmem>>)
    %dma_start3A_81 = arith.constant 0 : i32
    %dma_start3A_82 = arith.constant 0 : i32
    %dma_start3A_83 = tpu.memref_slice %arg15[%dma_start3A_81, %dma_start3A_82] : memref<100x128xf32, #tpu.memory_space<vmem_shared>> -> memref<100x128xf32, #tpu.memory_space<vmem_shared>>
    tpu.enqueue_indirect_dma source(%dma_start3A_83 : memref<100x128xf32, #tpu.memory_space<vmem_shared>>) target(%arg14 : memref<80x128xf32, #tpu.memory_space<vmem>>) offsets(%arg9 : memref<80xi32, #tpu.memory_space<vmem>>) semaphore(%arg25 : memref<!tpu.dma_semaphore, #tpu.memory_space<semaphore_mem>>)
    %dma_wait3A_84 = arith.constant 0 : i32
    %dma_wait3A_85 = arith.constant 0 : i32
    %dma_wait3A_86 = tpu.memref_slice %arg15[%dma_wait3A_84, %dma_wait3A_85] : memref<100x128xf32, #tpu.memory_space<vmem_shared>> -> memref<100x128xf32, #tpu.memory_space<vmem_shared>>
    tpu.wait_indirect_dma semaphore(%arg23 : memref<!tpu.dma_semaphore, #tpu.memory_space<semaphore_mem>>) src(%dma_wait3A_86 : memref<100x128xf32, #tpu.memory_space<vmem_shared>>) dst(%arg12 : memref<80x128xf32, #tpu.memory_space<vmem>>)
    %add3A_87 = arith.constant 160 : i32
    %add3A_88 = arith.addi %mul3A_2, %add3A_87 : i32
    %dma_start3A_89 = arith.constant 0 : i32
    %dma_start3A_90 = tpu.memref_slice %arg4[%add3A_88, %dma_start3A_89] : memref<320000x128xf32, #tpu.memory_space<hbm>> -> memref<80x128xf32, #tpu.memory_space<hbm>>
    %dma_start3A_91 = arith.constant 0 : i32
    %dma_start3A_92 = tpu.memref_slice %arg4[%add3A_88, %dma_start3A_91] : memref<320000x128xf32, #tpu.memory_space<hbm>> -> memref<80x128xf32, #tpu.memory_space<hbm>>
    tpu.enqueue_dma source(%arg12 : memref<80x128xf32, #tpu.memory_space<vmem>>) target(%dma_start3A_92 : memref<80x128xf32, #tpu.memory_space<hbm>>) target_semaphore(%arg28 : memref<!tpu.dma_semaphore, #tpu.memory_space<semaphore_mem>>)
    %add3A_93 = arith.constant 560 : i32
    %add3A_94 = arith.addi %mul3A_2, %add3A_93 : i32
    %dma_start3A_95 = tpu.memref_slice %arg2[%add3A_94] : memref<320000xi32, #tpu.memory_space<hbm>> -> memref<80xi32, #tpu.memory_space<hbm>>
    %dma_start3A_96 = tpu.memref_slice %arg2[%add3A_94] : memref<320000xi32, #tpu.memory_space<hbm>> -> memref<80xi32, #tpu.memory_space<hbm>>
    tpu.enqueue_dma source(%dma_start3A_96 : memref<80xi32, #tpu.memory_space<hbm>>) target(%arg7 : memref<80xi32, #tpu.memory_space<vmem>>) target_semaphore(%arg18 : memref<!tpu.dma_semaphore, #tpu.memory_space<semaphore_mem>>)
    %scan3A = arith.constant 0 : i32
    %scan3A_97 = arith.constant 1 : i32
    %scan3A_98 = arith.constant 24 : i32
    %scan3A_99 = arith.addi %scan3A_97, %scan3A_98 : i32
    %scan3A_100 = arith.constant 1 : i32
    scf.for %scan3A_162 = %scan3A_97 to %scan3A_99 step %scan3A_100  : i32 {
      %mul3A_163 = arith.constant 5 : i32
      %mul3A_164 = arith.muli %scan3A_162, %mul3A_163 : i32
      %add3A_165 = arith.constant 0 : i32
      %add3A_166 = arith.addi %mul3A_164, %add3A_165 : i32
      %mul3A_167 = arith.constant 80 : i32
      %mul3A_168 = arith.muli %add3A_166, %mul3A_167 : i32
      %add3A_169 = arith.addi %mul3A_2, %mul3A_168 : i32
      %dma_wait3A_170 = tpu.memref_slice %arg2[%add3A_169] : memref<320000xi32, #tpu.memory_space<hbm>> -> memref<80xi32, #tpu.memory_space<hbm>>
      %dma_wait3A_171 = tpu.memref_slice %arg2[%add3A_169] : memref<320000xi32, #tpu.memory_space<hbm>> -> memref<80xi32, #tpu.memory_space<hbm>>
      tpu.wait_dma2 semaphore(%arg16 : memref<!tpu.dma_semaphore, #tpu.memory_space<semaphore_mem>>) src(%dma_wait3A_171 : memref<80xi32, #tpu.memory_space<hbm>>) dst(%arg5 : memref<80xi32, #tpu.memory_space<vmem>>)
      %sub3A = arith.constant 400 : i32
      %sub3A_172 = arith.subi %add3A_169, %sub3A : i32
      %dma_wait3A_173 = arith.constant 0 : i32
      %dma_wait3A_174 = tpu.memref_slice %arg4[%sub3A_172, %dma_wait3A_173] : memref<320000x128xf32, #tpu.memory_space<hbm>> -> memref<80x128xf32, #tpu.memory_space<hbm>>
      %dma_wait3A_175 = arith.constant 0 : i32
      %dma_wait3A_176 = tpu.memref_slice %arg4[%sub3A_172, %dma_wait3A_175] : memref<320000x128xf32, #tpu.memory_space<hbm>> -> memref<80x128xf32, #tpu.memory_space<hbm>>
      tpu.wait_dma2 semaphore(%arg26 : memref<!tpu.dma_semaphore, #tpu.memory_space<semaphore_mem>>) src(%arg10 : memref<80x128xf32, #tpu.memory_space<vmem>>) dst(%dma_wait3A_176 : memref<80x128xf32, #tpu.memory_space<hbm>>)
      %dma_start3A_177 = arith.constant 0 : i32
      %dma_start3A_178 = arith.constant 0 : i32
      %dma_start3A_179 = tpu.memref_slice %arg15[%dma_start3A_177, %dma_start3A_178] : memref<100x128xf32, #tpu.memory_space<vmem_shared>> -> memref<100x128xf32, #tpu.memory_space<vmem_shared>>
      tpu.enqueue_indirect_dma source(%dma_start3A_179 : memref<100x128xf32, #tpu.memory_space<vmem_shared>>) target(%arg10 : memref<80x128xf32, #tpu.memory_space<vmem>>) offsets(%arg5 : memref<80xi32, #tpu.memory_space<vmem>>) semaphore(%arg21 : memref<!tpu.dma_semaphore, #tpu.memory_space<semaphore_mem>>)
      %dma_wait3A_180 = arith.constant 0 : i32
      %dma_wait3A_181 = arith.constant 0 : i32
      %dma_wait3A_182 = tpu.memref_slice %arg15[%dma_wait3A_180, %dma_wait3A_181] : memref<100x128xf32, #tpu.memory_space<vmem_shared>> -> memref<100x128xf32, #tpu.memory_space<vmem_shared>>
      tpu.wait_indirect_dma semaphore(%arg24 : memref<!tpu.dma_semaphore, #tpu.memory_space<semaphore_mem>>) src(%dma_wait3A_182 : memref<100x128xf32, #tpu.memory_space<vmem_shared>>) dst(%arg13 : memref<80x128xf32, #tpu.memory_space<vmem>>)
      %sub3A_183 = arith.constant 160 : i32
      %sub3A_184 = arith.subi %add3A_169, %sub3A_183 : i32
      %dma_start3A_185 = arith.constant 0 : i32
      %dma_start3A_186 = tpu.memref_slice %arg4[%sub3A_184, %dma_start3A_185] : memref<320000x128xf32, #tpu.memory_space<hbm>> -> memref<80x128xf32, #tpu.memory_space<hbm>>
      %dma_start3A_187 = arith.constant 0 : i32
      %dma_start3A_188 = tpu.memref_slice %arg4[%sub3A_184, %dma_start3A_187] : memref<320000x128xf32, #tpu.memory_space<hbm>> -> memref<80x128xf32, #tpu.memory_space<hbm>>
      tpu.enqueue_dma source(%arg13 : memref<80x128xf32, #tpu.memory_space<vmem>>) target(%dma_start3A_188 : memref<80x128xf32, #tpu.memory_space<hbm>>) target_semaphore(%arg29 : memref<!tpu.dma_semaphore, #tpu.memory_space<semaphore_mem>>)
      %add3A_189 = arith.constant 5 : i32
      %add3A_190 = arith.addi %add3A_166, %add3A_189 : i32
      %sub3A_191 = arith.constant 2 : i32
      %sub3A_192 = arith.subi %add3A_190, %sub3A_191 : i32
      %lt3A = arith.constant 125 : i32
      %lt3A_193 = arith.cmpi slt, %sub3A_192, %lt3A : i32
      %add3A_194 = arith.constant 5 : i32
      %add3A_195 = arith.addi %add3A_166, %add3A_194 : i32
      %sub3A_196 = arith.constant 2 : i32
      %sub3A_197 = arith.subi %add3A_195, %sub3A_196 : i32
      %sub3A_198 = arith.constant 2 : i32
      %sub3A_199 = arith.subi %add3A_166, %sub3A_198 : i32
      %select_n3A = arith.select %lt3A_193, %sub3A_197, %sub3A_199 : i32
      %mul3A_200 = arith.constant 80 : i32
      %mul3A_201 = arith.muli %select_n3A, %mul3A_200 : i32
      %add3A_202 = arith.addi %mul3A_2, %mul3A_201 : i32
      %dma_start3A_203 = tpu.memref_slice %arg2[%add3A_202] : memref<320000xi32, #tpu.memory_space<hbm>> -> memref<80xi32, #tpu.memory_space<hbm>>
      %dma_start3A_204 = tpu.memref_slice %arg2[%add3A_202] : memref<320000xi32, #tpu.memory_space<hbm>> -> memref<80xi32, #tpu.memory_space<hbm>>
      tpu.enqueue_dma source(%dma_start3A_204 : memref<80xi32, #tpu.memory_space<hbm>>) target(%arg8 : memref<80xi32, #tpu.memory_space<vmem>>) target_semaphore(%arg19 : memref<!tpu.dma_semaphore, #tpu.memory_space<semaphore_mem>>)
      %mul3A_205 = arith.constant 5 : i32
      %mul3A_206 = arith.muli %scan3A_162, %mul3A_205 : i32
      %add3A_207 = arith.constant 1 : i32
      %add3A_208 = arith.addi %mul3A_206, %add3A_207 : i32
      %mul3A_209 = arith.constant 80 : i32
      %mul3A_210 = arith.muli %add3A_208, %mul3A_209 : i32
      %add3A_211 = arith.addi %mul3A_2, %mul3A_210 : i32
      %dma_wait3A_212 = tpu.memref_slice %arg2[%add3A_211] : memref<320000xi32, #tpu.memory_space<hbm>> -> memref<80xi32, #tpu.memory_space<hbm>>
      %dma_wait3A_213 = tpu.memref_slice %arg2[%add3A_211] : memref<320000xi32, #tpu.memory_space<hbm>> -> memref<80xi32, #tpu.memory_space<hbm>>
      tpu.wait_dma2 semaphore(%arg17 : memref<!tpu.dma_semaphore, #tpu.memory_space<semaphore_mem>>) src(%dma_wait3A_213 : memref<80xi32, #tpu.memory_space<hbm>>) dst(%arg6 : memref<80xi32, #tpu.memory_space<vmem>>)
      %sub3A_214 = arith.constant 400 : i32
      %sub3A_215 = arith.subi %add3A_211, %sub3A_214 : i32
      %dma_wait3A_216 = arith.constant 0 : i32
      %dma_wait3A_217 = tpu.memref_slice %arg4[%sub3A_215, %dma_wait3A_216] : memref<320000x128xf32, #tpu.memory_space<hbm>> -> memref<80x128xf32, #tpu.memory_space<hbm>>
      %dma_wait3A_218 = arith.constant 0 : i32
      %dma_wait3A_219 = tpu.memref_slice %arg4[%sub3A_215, %dma_wait3A_218] : memref<320000x128xf32, #tpu.memory_space<hbm>> -> memref<80x128xf32, #tpu.memory_space<hbm>>
      tpu.wait_dma2 semaphore(%arg27 : memref<!tpu.dma_semaphore, #tpu.memory_space<semaphore_mem>>) src(%arg11 : memref<80x128xf32, #tpu.memory_space<vmem>>) dst(%dma_wait3A_219 : memref<80x128xf32, #tpu.memory_space<hbm>>)
      %dma_start3A_220 = arith.constant 0 : i32
      %dma_start3A_221 = arith.constant 0 : i32
      %dma_start3A_222 = tpu.memref_slice %arg15[%dma_start3A_220, %dma_start3A_221] : memref<100x128xf32, #tpu.memory_space<vmem_shared>> -> memref<100x128xf32, #tpu.memory_space<vmem_shared>>
      tpu.enqueue_indirect_dma source(%dma_start3A_222 : memref<100x128xf32, #tpu.memory_space<vmem_shared>>) target(%arg11 : memref<80x128xf32, #tpu.memory_space<vmem>>) offsets(%arg6 : memref<80xi32, #tpu.memory_space<vmem>>) semaphore(%arg22 : memref<!tpu.dma_semaphore, #tpu.memory_space<semaphore_mem>>)
      %dma_wait3A_223 = arith.constant 0 : i32
      %dma_wait3A_224 = arith.constant 0 : i32
      %dma_wait3A_225 = tpu.memref_slice %arg15[%dma_wait3A_223, %dma_wait3A_224] : memref<100x128xf32, #tpu.memory_space<vmem_shared>> -> memref<100x128xf32, #tpu.memory_space<vmem_shared>>
      tpu.wait_indirect_dma semaphore(%arg25 : memref<!tpu.dma_semaphore, #tpu.memory_space<semaphore_mem>>) src(%dma_wait3A_225 : memref<100x128xf32, #tpu.memory_space<vmem_shared>>) dst(%arg14 : memref<80x128xf32, #tpu.memory_space<vmem>>)
      %sub3A_226 = arith.constant 160 : i32
      %sub3A_227 = arith.subi %add3A_211, %sub3A_226 : i32
      %dma_start3A_228 = arith.constant 0 : i32
      %dma_start3A_229 = tpu.memref_slice %arg4[%sub3A_227, %dma_start3A_228] : memref<320000x128xf32, #tpu.memory_space<hbm>> -> memref<80x128xf32, #tpu.memory_space<hbm>>
      %dma_start3A_230 = arith.constant 0 : i32
      %dma_start3A_231 = tpu.memref_slice %arg4[%sub3A_227, %dma_start3A_230] : memref<320000x128xf32, #tpu.memory_space<hbm>> -> memref<80x128xf32, #tpu.memory_space<hbm>>
      tpu.enqueue_dma source(%arg14 : memref<80x128xf32, #tpu.memory_space<vmem>>) target(%dma_start3A_231 : memref<80x128xf32, #tpu.memory_space<hbm>>) target_semaphore(%arg30 : memref<!tpu.dma_semaphore, #tpu.memory_space<semaphore_mem>>)
      %add3A_232 = arith.constant 5 : i32
      %add3A_233 = arith.addi %add3A_208, %add3A_232 : i32
      %sub3A_234 = arith.constant 2 : i32
      %sub3A_235 = arith.subi %add3A_233, %sub3A_234 : i32
      %lt3A_236 = arith.constant 125 : i32
      %lt3A_237 = arith.cmpi slt, %sub3A_235, %lt3A_236 : i32
      %add3A_238 = arith.constant 5 : i32
      %add3A_239 = arith.addi %add3A_208, %add3A_238 : i32
      %sub3A_240 = arith.constant 2 : i32
      %sub3A_241 = arith.subi %add3A_239, %sub3A_240 : i32
      %sub3A_242 = arith.constant 2 : i32
      %sub3A_243 = arith.subi %add3A_208, %sub3A_242 : i32
      %select_n3A_244 = arith.select %lt3A_237, %sub3A_241, %sub3A_243 : i32
      %mul3A_245 = arith.constant 80 : i32
      %mul3A_246 = arith.muli %select_n3A_244, %mul3A_245 : i32
      %add3A_247 = arith.addi %mul3A_2, %mul3A_246 : i32
      %dma_start3A_248 = tpu.memref_slice %arg2[%add3A_247] : memref<320000xi32, #tpu.memory_space<hbm>> -> memref<80xi32, #tpu.memory_space<hbm>>
      %dma_start3A_249 = tpu.memref_slice %arg2[%add3A_247] : memref<320000xi32, #tpu.memory_space<hbm>> -> memref<80xi32, #tpu.memory_space<hbm>>
      tpu.enqueue_dma source(%dma_start3A_249 : memref<80xi32, #tpu.memory_space<hbm>>) target(%arg9 : memref<80xi32, #tpu.memory_space<vmem>>) target_semaphore(%arg20 : memref<!tpu.dma_semaphore, #tpu.memory_space<semaphore_mem>>)
      %mul3A_250 = arith.constant 5 : i32
      %mul3A_251 = arith.muli %scan3A_162, %mul3A_250 : i32
      %add3A_252 = arith.constant 2 : i32
      %add3A_253 = arith.addi %mul3A_251, %add3A_252 : i32
      %mul3A_254 = arith.constant 80 : i32
      %mul3A_255 = arith.muli %add3A_253, %mul3A_254 : i32
      %add3A_256 = arith.addi %mul3A_2, %mul3A_255 : i32
      %dma_wait3A_257 = tpu.memref_slice %arg2[%add3A_256] : memref<320000xi32, #tpu.memory_space<hbm>> -> memref<80xi32, #tpu.memory_space<hbm>>
      %dma_wait3A_258 = tpu.memref_slice %arg2[%add3A_256] : memref<320000xi32, #tpu.memory_space<hbm>> -> memref<80xi32, #tpu.memory_space<hbm>>
      tpu.wait_dma2 semaphore(%arg18 : memref<!tpu.dma_semaphore, #tpu.memory_space<semaphore_mem>>) src(%dma_wait3A_258 : memref<80xi32, #tpu.memory_space<hbm>>) dst(%arg7 : memref<80xi32, #tpu.memory_space<vmem>>)
      %sub3A_259 = arith.constant 400 : i32
      %sub3A_260 = arith.subi %add3A_256, %sub3A_259 : i32
      %dma_wait3A_261 = arith.constant 0 : i32
      %dma_wait3A_262 = tpu.memref_slice %arg4[%sub3A_260, %dma_wait3A_261] : memref<320000x128xf32, #tpu.memory_space<hbm>> -> memref<80x128xf32, #tpu.memory_space<hbm>>
      %dma_wait3A_263 = arith.constant 0 : i32
      %dma_wait3A_264 = tpu.memref_slice %arg4[%sub3A_260, %dma_wait3A_263] : memref<320000x128xf32, #tpu.memory_space<hbm>> -> memref<80x128xf32, #tpu.memory_space<hbm>>
      tpu.wait_dma2 semaphore(%arg28 : memref<!tpu.dma_semaphore, #tpu.memory_space<semaphore_mem>>) src(%arg12 : memref<80x128xf32, #tpu.memory_space<vmem>>) dst(%dma_wait3A_264 : memref<80x128xf32, #tpu.memory_space<hbm>>)
      %dma_start3A_265 = arith.constant 0 : i32
      %dma_start3A_266 = arith.constant 0 : i32
      %dma_start3A_267 = tpu.memref_slice %arg15[%dma_start3A_265, %dma_start3A_266] : memref<100x128xf32, #tpu.memory_space<vmem_shared>> -> memref<100x128xf32, #tpu.memory_space<vmem_shared>>
      tpu.enqueue_indirect_dma source(%dma_start3A_267 : memref<100x128xf32, #tpu.memory_space<vmem_shared>>) target(%arg12 : memref<80x128xf32, #tpu.memory_space<vmem>>) offsets(%arg7 : memref<80xi32, #tpu.memory_space<vmem>>) semaphore(%arg23 : memref<!tpu.dma_semaphore, #tpu.memory_space<semaphore_mem>>)
      %dma_wait3A_268 = arith.constant 0 : i32
      %dma_wait3A_269 = arith.constant 0 : i32
      %dma_wait3A_270 = tpu.memref_slice %arg15[%dma_wait3A_268, %dma_wait3A_269] : memref<100x128xf32, #tpu.memory_space<vmem_shared>> -> memref<100x128xf32, #tpu.memory_space<vmem_shared>>
      tpu.wait_indirect_dma semaphore(%arg21 : memref<!tpu.dma_semaphore, #tpu.memory_space<semaphore_mem>>) src(%dma_wait3A_270 : memref<100x128xf32, #tpu.memory_space<vmem_shared>>) dst(%arg10 : memref<80x128xf32, #tpu.memory_space<vmem>>)
      %sub3A_271 = arith.constant 160 : i32
      %sub3A_272 = arith.subi %add3A_256, %sub3A_271 : i32
      %dma_start3A_273 = arith.constant 0 : i32
      %dma_start3A_274 = tpu.memref_slice %arg4[%sub3A_272, %dma_start3A_273] : memref<320000x128xf32, #tpu.memory_space<hbm>> -> memref<80x128xf32, #tpu.memory_space<hbm>>
      %dma_start3A_275 = arith.constant 0 : i32
      %dma_start3A_276 = tpu.memref_slice %arg4[%sub3A_272, %dma_start3A_275] : memref<320000x128xf32, #tpu.memory_space<hbm>> -> memref<80x128xf32, #tpu.memory_space<hbm>>
      tpu.enqueue_dma source(%arg10 : memref<80x128xf32, #tpu.memory_space<vmem>>) target(%dma_start3A_276 : memref<80x128xf32, #tpu.memory_space<hbm>>) target_semaphore(%arg26 : memref<!tpu.dma_semaphore, #tpu.memory_space<semaphore_mem>>)
      %add3A_277 = arith.constant 5 : i32
      %add3A_278 = arith.addi %add3A_253, %add3A_277 : i32
      %sub3A_279 = arith.constant 2 : i32
      %sub3A_280 = arith.subi %add3A_278, %sub3A_279 : i32
      %lt3A_281 = arith.constant 125 : i32
      %lt3A_282 = arith.cmpi slt, %sub3A_280, %lt3A_281 : i32
      %add3A_283 = arith.constant 5 : i32
      %add3A_284 = arith.addi %add3A_253, %add3A_283 : i32
      %sub3A_285 = arith.constant 2 : i32
      %sub3A_286 = arith.subi %add3A_284, %sub3A_285 : i32
      %sub3A_287 = arith.constant 2 : i32
      %sub3A_288 = arith.subi %add3A_253, %sub3A_287 : i32
      %select_n3A_289 = arith.select %lt3A_282, %sub3A_286, %sub3A_288 : i32
      %mul3A_290 = arith.constant 80 : i32
      %mul3A_291 = arith.muli %select_n3A_289, %mul3A_290 : i32
      %add3A_292 = arith.addi %mul3A_2, %mul3A_291 : i32
      %dma_start3A_293 = tpu.memref_slice %arg2[%add3A_292] : memref<320000xi32, #tpu.memory_space<hbm>> -> memref<80xi32, #tpu.memory_space<hbm>>
      %dma_start3A_294 = tpu.memref_slice %arg2[%add3A_292] : memref<320000xi32, #tpu.memory_space<hbm>> -> memref<80xi32, #tpu.memory_space<hbm>>
      tpu.enqueue_dma source(%dma_start3A_294 : memref<80xi32, #tpu.memory_space<hbm>>) target(%arg5 : memref<80xi32, #tpu.memory_space<vmem>>) target_semaphore(%arg16 : memref<!tpu.dma_semaphore, #tpu.memory_space<semaphore_mem>>)
      %mul3A_295 = arith.constant 5 : i32
      %mul3A_296 = arith.muli %scan3A_162, %mul3A_295 : i32
      %add3A_297 = arith.constant 3 : i32
      %add3A_298 = arith.addi %mul3A_296, %add3A_297 : i32
      %mul3A_299 = arith.constant 80 : i32
      %mul3A_300 = arith.muli %add3A_298, %mul3A_299 : i32
      %add3A_301 = arith.addi %mul3A_2, %mul3A_300 : i32
      %dma_wait3A_302 = tpu.memref_slice %arg2[%add3A_301] : memref<320000xi32, #tpu.memory_space<hbm>> -> memref<80xi32, #tpu.memory_space<hbm>>
      %dma_wait3A_303 = tpu.memref_slice %arg2[%add3A_301] : memref<320000xi32, #tpu.memory_space<hbm>> -> memref<80xi32, #tpu.memory_space<hbm>>
      tpu.wait_dma2 semaphore(%arg19 : memref<!tpu.dma_semaphore, #tpu.memory_space<semaphore_mem>>) src(%dma_wait3A_303 : memref<80xi32, #tpu.memory_space<hbm>>) dst(%arg8 : memref<80xi32, #tpu.memory_space<vmem>>)
      %sub3A_304 = arith.constant 400 : i32
      %sub3A_305 = arith.subi %add3A_301, %sub3A_304 : i32
      %dma_wait3A_306 = arith.constant 0 : i32
      %dma_wait3A_307 = tpu.memref_slice %arg4[%sub3A_305, %dma_wait3A_306] : memref<320000x128xf32, #tpu.memory_space<hbm>> -> memref<80x128xf32, #tpu.memory_space<hbm>>
      %dma_wait3A_308 = arith.constant 0 : i32
      %dma_wait3A_309 = tpu.memref_slice %arg4[%sub3A_305, %dma_wait3A_308] : memref<320000x128xf32, #tpu.memory_space<hbm>> -> memref<80x128xf32, #tpu.memory_space<hbm>>
      tpu.wait_dma2 semaphore(%arg29 : memref<!tpu.dma_semaphore, #tpu.memory_space<semaphore_mem>>) src(%arg13 : memref<80x128xf32, #tpu.memory_space<vmem>>) dst(%dma_wait3A_309 : memref<80x128xf32, #tpu.memory_space<hbm>>)
      %dma_start3A_310 = arith.constant 0 : i32
      %dma_start3A_311 = arith.constant 0 : i32
      %dma_start3A_312 = tpu.memref_slice %arg15[%dma_start3A_310, %dma_start3A_311] : memref<100x128xf32, #tpu.memory_space<vmem_shared>> -> memref<100x128xf32, #tpu.memory_space<vmem_shared>>
      tpu.enqueue_indirect_dma source(%dma_start3A_312 : memref<100x128xf32, #tpu.memory_space<vmem_shared>>) target(%arg13 : memref<80x128xf32, #tpu.memory_space<vmem>>) offsets(%arg8 : memref<80xi32, #tpu.memory_space<vmem>>) semaphore(%arg24 : memref<!tpu.dma_semaphore, #tpu.memory_space<semaphore_mem>>)
      %dma_wait3A_313 = arith.constant 0 : i32
      %dma_wait3A_314 = arith.constant 0 : i32
      %dma_wait3A_315 = tpu.memref_slice %arg15[%dma_wait3A_313, %dma_wait3A_314] : memref<100x128xf32, #tpu.memory_space<vmem_shared>> -> memref<100x128xf32, #tpu.memory_space<vmem_shared>>
      tpu.wait_indirect_dma semaphore(%arg22 : memref<!tpu.dma_semaphore, #tpu.memory_space<semaphore_mem>>) src(%dma_wait3A_315 : memref<100x128xf32, #tpu.memory_space<vmem_shared>>) dst(%arg11 : memref<80x128xf32, #tpu.memory_space<vmem>>)
      %sub3A_316 = arith.constant 160 : i32
      %sub3A_317 = arith.subi %add3A_301, %sub3A_316 : i32
      %dma_start3A_318 = arith.constant 0 : i32
      %dma_start3A_319 = tpu.memref_slice %arg4[%sub3A_317, %dma_start3A_318] : memref<320000x128xf32, #tpu.memory_space<hbm>> -> memref<80x128xf32, #tpu.memory_space<hbm>>
      %dma_start3A_320 = arith.constant 0 : i32
      %dma_start3A_321 = tpu.memref_slice %arg4[%sub3A_317, %dma_start3A_320] : memref<320000x128xf32, #tpu.memory_space<hbm>> -> memref<80x128xf32, #tpu.memory_space<hbm>>
      tpu.enqueue_dma source(%arg11 : memref<80x128xf32, #tpu.memory_space<vmem>>) target(%dma_start3A_321 : memref<80x128xf32, #tpu.memory_space<hbm>>) target_semaphore(%arg27 : memref<!tpu.dma_semaphore, #tpu.memory_space<semaphore_mem>>)
      %add3A_322 = arith.constant 5 : i32
      %add3A_323 = arith.addi %add3A_298, %add3A_322 : i32
      %sub3A_324 = arith.constant 2 : i32
      %sub3A_325 = arith.subi %add3A_323, %sub3A_324 : i32
      %lt3A_326 = arith.constant 125 : i32
      %lt3A_327 = arith.cmpi slt, %sub3A_325, %lt3A_326 : i32
      %add3A_328 = arith.constant 5 : i32
      %add3A_329 = arith.addi %add3A_298, %add3A_328 : i32
      %sub3A_330 = arith.constant 2 : i32
      %sub3A_331 = arith.subi %add3A_329, %sub3A_330 : i32
      %sub3A_332 = arith.constant 2 : i32
      %sub3A_333 = arith.subi %add3A_298, %sub3A_332 : i32
      %select_n3A_334 = arith.select %lt3A_327, %sub3A_331, %sub3A_333 : i32
      %mul3A_335 = arith.constant 80 : i32
      %mul3A_336 = arith.muli %select_n3A_334, %mul3A_335 : i32
      %add3A_337 = arith.addi %mul3A_2, %mul3A_336 : i32
      %dma_start3A_338 = tpu.memref_slice %arg2[%add3A_337] : memref<320000xi32, #tpu.memory_space<hbm>> -> memref<80xi32, #tpu.memory_space<hbm>>
      %dma_start3A_339 = tpu.memref_slice %arg2[%add3A_337] : memref<320000xi32, #tpu.memory_space<hbm>> -> memref<80xi32, #tpu.memory_space<hbm>>
      tpu.enqueue_dma source(%dma_start3A_339 : memref<80xi32, #tpu.memory_space<hbm>>) target(%arg6 : memref<80xi32, #tpu.memory_space<vmem>>) target_semaphore(%arg17 : memref<!tpu.dma_semaphore, #tpu.memory_space<semaphore_mem>>)
      %mul3A_340 = arith.constant 5 : i32
      %mul3A_341 = arith.muli %scan3A_162, %mul3A_340 : i32
      %add3A_342 = arith.constant 4 : i32
      %add3A_343 = arith.addi %mul3A_341, %add3A_342 : i32
      %mul3A_344 = arith.constant 80 : i32
      %mul3A_345 = arith.muli %add3A_343, %mul3A_344 : i32
      %add3A_346 = arith.addi %mul3A_2, %mul3A_345 : i32
      %dma_wait3A_347 = tpu.memref_slice %arg2[%add3A_346] : memref<320000xi32, #tpu.memory_space<hbm>> -> memref<80xi32, #tpu.memory_space<hbm>>
      %dma_wait3A_348 = tpu.memref_slice %arg2[%add3A_346] : memref<320000xi32, #tpu.memory_space<hbm>> -> memref<80xi32, #tpu.memory_space<hbm>>
      tpu.wait_dma2 semaphore(%arg20 : memref<!tpu.dma_semaphore, #tpu.memory_space<semaphore_mem>>) src(%dma_wait3A_348 : memref<80xi32, #tpu.memory_space<hbm>>) dst(%arg9 : memref<80xi32, #tpu.memory_space<vmem>>)
      %sub3A_349 = arith.constant 400 : i32
      %sub3A_350 = arith.subi %add3A_346, %sub3A_349 : i32
      %dma_wait3A_351 = arith.constant 0 : i32
      %dma_wait3A_352 = tpu.memref_slice %arg4[%sub3A_350, %dma_wait3A_351] : memref<320000x128xf32, #tpu.memory_space<hbm>> -> memref<80x128xf32, #tpu.memory_space<hbm>>
      %dma_wait3A_353 = arith.constant 0 : i32
      %dma_wait3A_354 = tpu.memref_slice %arg4[%sub3A_350, %dma_wait3A_353] : memref<320000x128xf32, #tpu.memory_space<hbm>> -> memref<80x128xf32, #tpu.memory_space<hbm>>
      tpu.wait_dma2 semaphore(%arg30 : memref<!tpu.dma_semaphore, #tpu.memory_space<semaphore_mem>>) src(%arg14 : memref<80x128xf32, #tpu.memory_space<vmem>>) dst(%dma_wait3A_354 : memref<80x128xf32, #tpu.memory_space<hbm>>)
      %dma_start3A_355 = arith.constant 0 : i32
      %dma_start3A_356 = arith.constant 0 : i32
      %dma_start3A_357 = tpu.memref_slice %arg15[%dma_start3A_355, %dma_start3A_356] : memref<100x128xf32, #tpu.memory_space<vmem_shared>> -> memref<100x128xf32, #tpu.memory_space<vmem_shared>>
      tpu.enqueue_indirect_dma source(%dma_start3A_357 : memref<100x128xf32, #tpu.memory_space<vmem_shared>>) target(%arg14 : memref<80x128xf32, #tpu.memory_space<vmem>>) offsets(%arg9 : memref<80xi32, #tpu.memory_space<vmem>>) semaphore(%arg25 : memref<!tpu.dma_semaphore, #tpu.memory_space<semaphore_mem>>)
      %dma_wait3A_358 = arith.constant 0 : i32
      %dma_wait3A_359 = arith.constant 0 : i32
      %dma_wait3A_360 = tpu.memref_slice %arg15[%dma_wait3A_358, %dma_wait3A_359] : memref<100x128xf32, #tpu.memory_space<vmem_shared>> -> memref<100x128xf32, #tpu.memory_space<vmem_shared>>
      tpu.wait_indirect_dma semaphore(%arg23 : memref<!tpu.dma_semaphore, #tpu.memory_space<semaphore_mem>>) src(%dma_wait3A_360 : memref<100x128xf32, #tpu.memory_space<vmem_shared>>) dst(%arg12 : memref<80x128xf32, #tpu.memory_space<vmem>>)
      %sub3A_361 = arith.constant 160 : i32
      %sub3A_362 = arith.subi %add3A_346, %sub3A_361 : i32
      %dma_start3A_363 = arith.constant 0 : i32
      %dma_start3A_364 = tpu.memref_slice %arg4[%sub3A_362, %dma_start3A_363] : memref<320000x128xf32, #tpu.memory_space<hbm>> -> memref<80x128xf32, #tpu.memory_space<hbm>>
      %dma_start3A_365 = arith.constant 0 : i32
      %dma_start3A_366 = tpu.memref_slice %arg4[%sub3A_362, %dma_start3A_365] : memref<320000x128xf32, #tpu.memory_space<hbm>> -> memref<80x128xf32, #tpu.memory_space<hbm>>
      tpu.enqueue_dma source(%arg12 : memref<80x128xf32, #tpu.memory_space<vmem>>) target(%dma_start3A_366 : memref<80x128xf32, #tpu.memory_space<hbm>>) target_semaphore(%arg28 : memref<!tpu.dma_semaphore, #tpu.memory_space<semaphore_mem>>)
      %add3A_367 = arith.constant 5 : i32
      %add3A_368 = arith.addi %add3A_343, %add3A_367 : i32
      %sub3A_369 = arith.constant 2 : i32
      %sub3A_370 = arith.subi %add3A_368, %sub3A_369 : i32
      %lt3A_371 = arith.constant 125 : i32
      %lt3A_372 = arith.cmpi slt, %sub3A_370, %lt3A_371 : i32
      %add3A_373 = arith.constant 5 : i32
      %add3A_374 = arith.addi %add3A_343, %add3A_373 : i32
      %sub3A_375 = arith.constant 2 : i32
      %sub3A_376 = arith.subi %add3A_374, %sub3A_375 : i32
      %sub3A_377 = arith.constant 2 : i32
      %sub3A_378 = arith.subi %add3A_343, %sub3A_377 : i32
      %select_n3A_379 = arith.select %lt3A_372, %sub3A_376, %sub3A_378 : i32
      %mul3A_380 = arith.constant 80 : i32
      %mul3A_381 = arith.muli %select_n3A_379, %mul3A_380 : i32
      %add3A_382 = arith.addi %mul3A_2, %mul3A_381 : i32
      %dma_start3A_383 = tpu.memref_slice %arg2[%add3A_382] : memref<320000xi32, #tpu.memory_space<hbm>> -> memref<80xi32, #tpu.memory_space<hbm>>
      %dma_start3A_384 = tpu.memref_slice %arg2[%add3A_382] : memref<320000xi32, #tpu.memory_space<hbm>> -> memref<80xi32, #tpu.memory_space<hbm>>
      tpu.enqueue_dma source(%dma_start3A_384 : memref<80xi32, #tpu.memory_space<hbm>>) target(%arg7 : memref<80xi32, #tpu.memory_space<vmem>>) target_semaphore(%arg18 : memref<!tpu.dma_semaphore, #tpu.memory_space<semaphore_mem>>)
    }
    %scan3A_101 = arith.constant 24 : i32
    %dma_wait3A_102 = arith.constant 0 : i32
    %dma_wait3A_103 = arith.constant 0 : i32
    %dma_wait3A_104 = tpu.memref_slice %arg15[%dma_wait3A_102, %dma_wait3A_103] : memref<100x128xf32, #tpu.memory_space<vmem_shared>> -> memref<100x128xf32, #tpu.memory_space<vmem_shared>>
    tpu.wait_indirect_dma semaphore(%arg24 : memref<!tpu.dma_semaphore, #tpu.memory_space<semaphore_mem>>) src(%dma_wait3A_104 : memref<100x128xf32, #tpu.memory_space<vmem_shared>>) dst(%arg13 : memref<80x128xf32, #tpu.memory_space<vmem>>)
    %add3A_105 = arith.constant 9840 : i32
    %add3A_106 = arith.addi %mul3A_2, %add3A_105 : i32
    %dma_start3A_107 = arith.constant 0 : i32
    %dma_start3A_108 = tpu.memref_slice %arg4[%add3A_106, %dma_start3A_107] : memref<320000x128xf32, #tpu.memory_space<hbm>> -> memref<80x128xf32, #tpu.memory_space<hbm>>
    %dma_start3A_109 = arith.constant 0 : i32
    %dma_start3A_110 = tpu.memref_slice %arg4[%add3A_106, %dma_start3A_109] : memref<320000x128xf32, #tpu.memory_space<hbm>> -> memref<80x128xf32, #tpu.memory_space<hbm>>
    tpu.enqueue_dma source(%arg13 : memref<80x128xf32, #tpu.memory_space<vmem>>) target(%dma_start3A_110 : memref<80x128xf32, #tpu.memory_space<hbm>>) target_semaphore(%arg29 : memref<!tpu.dma_semaphore, #tpu.memory_space<semaphore_mem>>)
    %dma_wait3A_111 = arith.constant 0 : i32
    %dma_wait3A_112 = arith.constant 0 : i32
    %dma_wait3A_113 = tpu.memref_slice %arg15[%dma_wait3A_111, %dma_wait3A_112] : memref<100x128xf32, #tpu.memory_space<vmem_shared>> -> memref<100x128xf32, #tpu.memory_space<vmem_shared>>
    tpu.wait_indirect_dma semaphore(%arg25 : memref<!tpu.dma_semaphore, #tpu.memory_space<semaphore_mem>>) src(%dma_wait3A_113 : memref<100x128xf32, #tpu.memory_space<vmem_shared>>) dst(%arg14 : memref<80x128xf32, #tpu.memory_space<vmem>>)
    %add3A_114 = arith.constant 9920 : i32
    %add3A_115 = arith.addi %mul3A_2, %add3A_114 : i32
    %dma_start3A_116 = arith.constant 0 : i32
    %dma_start3A_117 = tpu.memref_slice %arg4[%add3A_115, %dma_start3A_116] : memref<320000x128xf32, #tpu.memory_space<hbm>> -> memref<80x128xf32, #tpu.memory_space<hbm>>
    %dma_start3A_118 = arith.constant 0 : i32
    %dma_start3A_119 = tpu.memref_slice %arg4[%add3A_115, %dma_start3A_118] : memref<320000x128xf32, #tpu.memory_space<hbm>> -> memref<80x128xf32, #tpu.memory_space<hbm>>
    tpu.enqueue_dma source(%arg14 : memref<80x128xf32, #tpu.memory_space<vmem>>) target(%dma_start3A_119 : memref<80x128xf32, #tpu.memory_space<hbm>>) target_semaphore(%arg30 : memref<!tpu.dma_semaphore, #tpu.memory_space<semaphore_mem>>)
    %add3A_120 = arith.constant 9600 : i32
    %add3A_121 = arith.addi %mul3A_2, %add3A_120 : i32
    %dma_wait3A_122 = arith.constant 0 : i32
    %dma_wait3A_123 = tpu.memref_slice %arg4[%add3A_121, %dma_wait3A_122] : memref<320000x128xf32, #tpu.memory_space<hbm>> -> memref<80x128xf32, #tpu.memory_space<hbm>>
    %dma_wait3A_124 = arith.constant 0 : i32
    %dma_wait3A_125 = tpu.memref_slice %arg4[%add3A_121, %dma_wait3A_124] : memref<320000x128xf32, #tpu.memory_space<hbm>> -> memref<80x128xf32, #tpu.memory_space<hbm>>
    tpu.wait_dma2 semaphore(%arg26 : memref<!tpu.dma_semaphore, #tpu.memory_space<semaphore_mem>>) src(%arg10 : memref<80x128xf32, #tpu.memory_space<vmem>>) dst(%dma_wait3A_125 : memref<80x128xf32, #tpu.memory_space<hbm>>)
    %add3A_126 = arith.constant 9680 : i32
    %add3A_127 = arith.addi %mul3A_2, %add3A_126 : i32
    %dma_wait3A_128 = arith.constant 0 : i32
    %dma_wait3A_129 = tpu.memref_slice %arg4[%add3A_127, %dma_wait3A_128] : memref<320000x128xf32, #tpu.memory_space<hbm>> -> memref<80x128xf32, #tpu.memory_space<hbm>>
    %dma_wait3A_130 = arith.constant 0 : i32
    %dma_wait3A_131 = tpu.memref_slice %arg4[%add3A_127, %dma_wait3A_130] : memref<320000x128xf32, #tpu.memory_space<hbm>> -> memref<80x128xf32, #tpu.memory_space<hbm>>
    tpu.wait_dma2 semaphore(%arg27 : memref<!tpu.dma_semaphore, #tpu.memory_space<semaphore_mem>>) src(%arg11 : memref<80x128xf32, #tpu.memory_space<vmem>>) dst(%dma_wait3A_131 : memref<80x128xf32, #tpu.memory_space<hbm>>)
    %add3A_132 = arith.constant 9760 : i32
    %add3A_133 = arith.addi %mul3A_2, %add3A_132 : i32
    %dma_wait3A_134 = arith.constant 0 : i32
    %dma_wait3A_135 = tpu.memref_slice %arg4[%add3A_133, %dma_wait3A_134] : memref<320000x128xf32, #tpu.memory_space<hbm>> -> memref<80x128xf32, #tpu.memory_space<hbm>>
    %dma_wait3A_136 = arith.constant 0 : i32
    %dma_wait3A_137 = tpu.memref_slice %arg4[%add3A_133, %dma_wait3A_136] : memref<320000x128xf32, #tpu.memory_space<hbm>> -> memref<80x128xf32, #tpu.memory_space<hbm>>
    tpu.wait_dma2 semaphore(%arg28 : memref<!tpu.dma_semaphore, #tpu.memory_space<semaphore_mem>>) src(%arg12 : memref<80x128xf32, #tpu.memory_space<vmem>>) dst(%dma_wait3A_137 : memref<80x128xf32, #tpu.memory_space<hbm>>)
    %add3A_138 = arith.constant 9840 : i32
    %add3A_139 = arith.addi %mul3A_2, %add3A_138 : i32
    %dma_wait3A_140 = arith.constant 0 : i32
    %dma_wait3A_141 = tpu.memref_slice %arg4[%add3A_139, %dma_wait3A_140] : memref<320000x128xf32, #tpu.memory_space<hbm>> -> memref<80x128xf32, #tpu.memory_space<hbm>>
    %dma_wait3A_142 = arith.constant 0 : i32
    %dma_wait3A_143 = tpu.memref_slice %arg4[%add3A_139, %dma_wait3A_142] : memref<320000x128xf32, #tpu.memory_space<hbm>> -> memref<80x128xf32, #tpu.memory_space<hbm>>
    tpu.wait_dma2 semaphore(%arg29 : memref<!tpu.dma_semaphore, #tpu.memory_space<semaphore_mem>>) src(%arg13 : memref<80x128xf32, #tpu.memory_space<vmem>>) dst(%dma_wait3A_143 : memref<80x128xf32, #tpu.memory_space<hbm>>)
    %add3A_144 = arith.constant 9920 : i32
    %add3A_145 = arith.addi %mul3A_2, %add3A_144 : i32
    %dma_wait3A_146 = arith.constant 0 : i32
    %dma_wait3A_147 = tpu.memref_slice %arg4[%add3A_145, %dma_wait3A_146] : memref<320000x128xf32, #tpu.memory_space<hbm>> -> memref<80x128xf32, #tpu.memory_space<hbm>>
    %dma_wait3A_148 = arith.constant 0 : i32
    %dma_wait3A_149 = tpu.memref_slice %arg4[%add3A_145, %dma_wait3A_148] : memref<320000x128xf32, #tpu.memory_space<hbm>> -> memref<80x128xf32, #tpu.memory_space<hbm>>
    tpu.wait_dma2 semaphore(%arg30 : memref<!tpu.dma_semaphore, #tpu.memory_space<semaphore_mem>>) src(%arg14 : memref<80x128xf32, #tpu.memory_space<vmem>>) dst(%dma_wait3A_149 : memref<80x128xf32, #tpu.memory_space<hbm>>)
    %add3A_150 = arith.constant 9600 : i32
    %add3A_151 = arith.addi %mul3A_2, %add3A_150 : i32
    %dma_wait3A_152 = tpu.memref_slice %arg2[%add3A_151] : memref<320000xi32, #tpu.memory_space<hbm>> -> memref<80xi32, #tpu.memory_space<hbm>>
    %dma_wait3A_153 = tpu.memref_slice %arg2[%add3A_151] : memref<320000xi32, #tpu.memory_space<hbm>> -> memref<80xi32, #tpu.memory_space<hbm>>
    tpu.wait_dma2 semaphore(%arg16 : memref<!tpu.dma_semaphore, #tpu.memory_space<semaphore_mem>>) src(%dma_wait3A_153 : memref<80xi32, #tpu.memory_space<hbm>>) dst(%arg5 : memref<80xi32, #tpu.memory_space<vmem>>)
    %add3A_154 = arith.constant 9680 : i32
    %add3A_155 = arith.addi %mul3A_2, %add3A_154 : i32
    %dma_wait3A_156 = tpu.memref_slice %arg2[%add3A_155] : memref<320000xi32, #tpu.memory_space<hbm>> -> memref<80xi32, #tpu.memory_space<hbm>>
    %dma_wait3A_157 = tpu.memref_slice %arg2[%add3A_155] : memref<320000xi32, #tpu.memory_space<hbm>> -> memref<80xi32, #tpu.memory_space<hbm>>
    tpu.wait_dma2 semaphore(%arg17 : memref<!tpu.dma_semaphore, #tpu.memory_space<semaphore_mem>>) src(%dma_wait3A_157 : memref<80xi32, #tpu.memory_space<hbm>>) dst(%arg6 : memref<80xi32, #tpu.memory_space<vmem>>)
    %add3A_158 = arith.constant 9760 : i32
    %add3A_159 = arith.addi %mul3A_2, %add3A_158 : i32
    %dma_wait3A_160 = tpu.memref_slice %arg2[%add3A_159] : memref<320000xi32, #tpu.memory_space<hbm>> -> memref<80xi32, #tpu.memory_space<hbm>>
    %dma_wait3A_161 = tpu.memref_slice %arg2[%add3A_159] : memref<320000xi32, #tpu.memory_space<hbm>> -> memref<80xi32, #tpu.memory_space<hbm>>
    tpu.wait_dma2 semaphore(%arg18 : memref<!tpu.dma_semaphore, #tpu.memory_space<semaphore_mem>>) src(%dma_wait3A_161 : memref<80xi32, #tpu.memory_space<hbm>>) dst(%arg7 : memref<80xi32, #tpu.memory_space<vmem>>)
    return
  }
}

</mosaic_0001>

<sc_bundles>
// kernel: kernel.3.cloned.1.call-start
scs
__scs_entry_jumppad:
0x0: {  	(pc) =	sbr.rel $0x88, $3  }
0x1: {  	(tag) =	ssettag $0x0;
	lr =	simm.s32 $0x1  }
0x2: {  	[smem:$0x3F9F] =	sst lr;
	_ =	strace $0xD0000000  }
0x3: {  	_ = 	snop  }
0x4: {  	_ = 	snop  }
0x5: {  	_ = 	snop  }
0x6: {  	_ = 	snop  }
0x7: {  	_ = 	snop  }
__scs_overlays_trampoline_lowered:
0x8: {  	[smem:$0x3FAE] =	sst s0  }
0x9: {  	[smem:$0x3FAF] =	sst s1  }
0xa: {  	[smem:$0x3FB0] =	sst s2  }
0xb: {  	[smem:$0x3FB1] =	sst s3  }
0xc: {  	[smem:$0x3FB2] =	sst s4  }
0xd: {  	[smem:$0x3FB3] =	sst s5  }
0xe: {  	[smem:$0x3FB4] =	sst s6  }
0xf: {  	[smem:$0x3FB5] =	sst s7  }
0x10: {  	[smem:$0x3FB6] =	sst s8  }
0x11: {  	[smem:$0x3FB7] =	sst s9;
	s0 =	simm.s32 @!p0 $0x0  }
0x12: {  	s1 =	sld [smem:$0x3F9D];
	s0 =	simm.s32 @p0 $0x1  }
0x13: {  	[smem:$0x3FB8] =	sst s0;
	s0 =	simm.s32 @!p1 $0x0  }
0x14: {  	s2 =	sld [smem:$0x3F9C];
	s0 =	simm.s32 @p1 $0x1  }
0x15: {  	[smem:$0x3FB9] =	sst s0;
	s0 =	simm.s32 @!p2 $0x0  }
0x16: {  	s3 =	sld [smem:$0x3FDB];
	s0 =	simm.s32 @p2 $0x1  }
0x17: {  	s4 =	simm.s32 $0x1BF5;
	[smem:$0x3FBB] =	sst s0  }
0x18: {  	s0 =	sld [smem:$0x3F9E];
	_ =	swait.ge [sflag:s4], $0x0  }
0x19: {  	s7 =	sld [smem:$0x3F9F]  }
0x1a: {  	s8 =	sadd.s32 $0xFFFFE003, lr  }
0x1b: {  	s9 =	sadd.s32 $0xFFFFFEF7, lr;
	s5 =	simm.s32 $0xFFFFFFFF;
	p2 =	slt.u32 s8, $0xFFFFF086  }
0x1c: {  	p1 =	slt.u32 s9, $0xF7A;
	s5 =	simm.s32 @!p2 $0x0  }
0x1d: {  	s5 =	simm.s32 @p1 $0x1;
	p0 =	seq.s32 s7, s2  }
0x1e: {  	s7 =	smul.u32 @!p0 $0xF7A, s2;
	p2 =	seq.s32 @!p0 s5, $0x0  }
0x1f: {  	s9 =	smul.u32 $0xF7A, s1;
	s8 =	simm.s32 @!p0 $0x1BF5;
	p2 =	por !p2, p0  }
0x20: {  	[sflag:s8] =	ssyncset.s32 @!p0 $0xFFFFF086;
	s6 =	sadd.s32 @!p0 s3, s7;
	s7 =	simm.s32 @!p0 $0x108  }
0x21: {  	s3 =	sadd.s32 s3, s9;
	s6 =	sadd.s32 @!p0 $0x88, s6;
	s7 =	simm.s32 @p2 $0x1082  }
0x22: {  	[simem:s7], [sflag:s8] =	dma.local @!p0 [hbm:s6], $0xF7A  }
0x23: {  	s9 =	sor.u32 $0xD0000000, s2;
	s6 =	simm.s32 $0x108;
	_ =	swait.ge @!p0 [sflag:s8], $0x0  }
0x24: {  	s3 =	sadd.s32 $0x88, s3;
	s6 =	simm.s32 @!p1 $0x1082;
	[sflag:s4] =	ssyncset.s32 $0xFFFFF086  }
0x25: {  	[simem:s6], [sflag:s4] =	dma.local [hbm:s3], $0xF7A  }
0x26: {  	[smem:$0x3F9F] =	sst s1;
	(tag) =	ssettag s2;
	_ =	strace s9  }
0x27: {  	s1 =	sld [smem:$0x3FAF]  }
0x28: {  	s2 =	sld [smem:$0x3FB0]  }
0x29: {  	s4 =	sld [smem:$0x3FB2]  }
0x2a: {  	p0 =	seq.s32 s5, $0x0;
	s5 =	sld [smem:$0x3FB3]  }
0x2b: {  	s6 =	sld [smem:$0x3FB4]  }
0x2c: {  	s7 =	sld [smem:$0x3FB5]  }
0x2d: {  	s3 =	simm.s32 $0x108;
	s8 =	sld [smem:$0x3FB6]  }
0x2e: {  	s3 =	simm.s32 @!p0 $0x1082;
	s9 =	sld [smem:$0x3FB7]  }
0x2f: {  	lr =	sadd.s32 s0, s3;
	s0 =	sld [smem:$0x3FAE]  }
0x30: {  	s3 =	sld [smem:$0x3FB1]  }
0x31: {  	[smem:$0x3FBA] =	sst s10  }
0x32: {  	s10 =	sld [smem:$0x3FB8];
	_ =	sdelay $0x3  }
0x33: {  	p0 =	seq.s32 s10, $0x1;
	s10 =	sld [smem:$0x3FBA];
	_ =	sdelay $0x3  }
0x34: {  	[smem:$0x3FBA] =	sst s10  }
0x35: {  	s10 =	sld [smem:$0x3FB9];
	_ =	sdelay $0x3  }
0x36: {  	p1 =	seq.s32 s10, $0x1;
	s10 =	sld [smem:$0x3FBA];
	_ =	sdelay $0x3  }
0x37: {  	[smem:$0x3FBA] =	sst s10  }
0x38: {  	s10 =	sld [smem:$0x3FBB]  }
0x39: {  	_ = 	snop;
	(pc) =	sbr.ind lr, $3  }
0x3a: {  	_ = 	snop  }
0x3b: {  	_ = 	snop  }
0x3c: {  	p2 =	seq.s32 s10, $0x1;
	s10 =	sld [smem:$0x3FBA]  }
0x3d: {  	_ =	shalt  }
0x3e: {  	_ =	shalt  }
0x3f: {  	_ =	shalt  }
0x40: {  	_ =	shalt  }
0x41: {  	_ =	shalt  }
0x42: {  	_ =	shalt  }
0x43: {  	_ =	shalt  }
0x44: {  	_ =	shalt  }
0x45: {  	_ =	shalt  }
0x46: {  	_ =	shalt  }
0x47: {  	_ =	shalt  }
0x48: {  	_ =	shalt  }
0x49: {  	_ =	shalt  }
0x4a: {  	_ =	shalt  }
0x4b: {  	_ =	shalt  }
0x4c: {  	_ =	shalt  }
0x4d: {  	_ =	shalt  }
0x4e: {  	_ =	shalt  }
0x4f: {  	_ =	shalt  }
0x50: {  	_ =	shalt  }
0x51: {  	_ =	shalt  }
0x52: {  	_ =	shalt  }
0x53: {  	_ =	shalt  }
0x54: {  	_ =	shalt  }
0x55: {  	_ =	shalt  }
0x56: {  	_ =	shalt  }
0x57: {  	_ =	shalt  }
0x58: {  	_ =	shalt  }
0x59: {  	_ =	shalt  }
0x5a: {  	_ =	shalt  }
0x5b: {  	_ =	shalt  }
0x5c: {  	_ =	shalt  }
0x5d: {  	_ =	shalt  }
0x5e: {  	_ =	shalt  }
0x5f: {  	_ =	shalt  }
0x60: {  	_ =	shalt  }
0x61: {  	_ =	shalt  }
0x62: {  	_ =	shalt  }
0x63: {  	_ =	shalt  }
0x64: {  	_ =	shalt  }
0x65: {  	_ =	shalt  }
0x66: {  	_ =	shalt  }
0x67: {  	_ =	shalt  }
0x68: {  	_ =	shalt  }
0x69: {  	_ =	shalt  }
0x6a: {  	_ =	shalt  }
0x6b: {  	_ =	shalt  }
0x6c: {  	_ =	shalt  }
0x6d: {  	_ =	shalt  }
0x6e: {  	_ =	shalt  }
0x6f: {  	_ =	shalt  }
0x70: {  	_ =	shalt  }
0x71: {  	_ =	shalt  }
0x72: {  	_ =	shalt  }
0x73: {  	_ =	shalt  }
0x74: {  	_ =	shalt  }
0x75: {  	_ =	shalt  }
0x76: {  	_ =	shalt  }
0x77: {  	_ =	shalt  }
0x78: {  	_ =	shalt  }
0x79: {  	_ =	shalt  }
0x7a: {  	_ =	shalt  }
0x7b: {  	_ =	shalt  }
0x7c: {  	_ =	shalt  }
0x7d: {  	_ =	shalt  }
0x7e: {  	_ =	shalt  }
0x7f: {  	_ =	shalt  }
0x80: {  	_ =	shalt  }
0x81: {  	_ =	shalt  }
0x82: {  	_ =	shalt  }
0x83: {  	_ =	shalt  }
0x84: {  	_ =	shalt  }
0x85: {  	_ =	shalt  }
0x86: {  	_ =	shalt  }
0x87: {  	_ =	shalt  }
.Lfunc_end0:
.L_simem_size_0:
called_computation_lowered:
.L_overlay_start_0:
0x88: {  	s2 =	sld [smem:$0x3FD9]  }
0x89: {  	s3 =	sld [smem:$0x3FFE];
	_ =	sdelay $0x1  }
0x8a: {  	s1 =	srdreg.scid  }
0x8b: {  	s0 =	sand.u32 $0x1, s1  }
0x8c: {  	s18 =	sshll.u32 s0, $0xA;
	s2 =	sadd.s32 s3, s2  }
0x8d: {  	s2 =	sadd.s32 s2, s18  }
0x8e: {  	[smem:$0x3FC6] =	sst s2  }
0x8f: {  	_ = 	snop  }
0x90: {  	s2 =	sld [smem:$0x3FC9]  }
0x91: {  	s19 =	sld [smem:$0x3FC8]  }
0x92: {  	s4 =	sld [smem:$0x3FD0];
	(tm) =	ssettm $0x1  }
0x93: {  	s5 =	sld [smem:$0x3FFB];
	_ =	sdelay $0x3  }
0x94: {  	_ =	strace s5  }
0x95: {  	s5 =	sld [smem:$0x3FFC];
	_ =	sdelay $0x3  }
0x96: {  	_ =	strace s5  }
0x97: {  	s5 =	sld [smem:$0x3FFD];
	_ =	sdelay $0x3  }
0x98: {  	_ =	strace s5  }
0x99: {  	_ =	strace $0x8FFFFFFF  }
0x9a: {  	s20 =	sld [smem:$0x3FDB];
	_ =	sdelay $0x1  }
0x9b: {  	s6 =	simm.s32 $_scs_section_size  }
0x9c: {  	s7 =	simm.s32 $_size__tile_overlayer_lowered;
	s8 =	simm.s32 $_tile_overlayer_lowered  }
0x9d: {  	s23 =	simm.s32 $0x1BFF;
	s22 =	sshll.u32 s8, $0x1;
	s5 =	sadd.s32 s6, s20  }
0x9e: {  	s9 =	simm.s32 $0x0;
	s21 =	sshll.u32 s7, $0x1;
	s7 =	sadd.s32 s22, s5  }
0x9f: {  	[timem:s9], [sflag:s23] =	dma.local [hbm:s7], s21  }
0xa0: {  	_ =	swait.ge [sflag:s23], s21  }
0xa1: {  	s6 =	ssub.s32 $0x0, s21;
	[sflag:s23] =	ssyncset.done $0x0  }
0xa2: {  	[sflag:s23] =	ssyncadd.s32 s6;
	_ =	sdelay $0x1  }
0xa3: {  	s24 =	simm.s32 $0x1B8B  }
0xa4: {  	_ =	swait.ge [sflag:s24], $0x1  }
0xa5: {  	[sflag:s24] =	ssyncset.done $0x0  }
0xa6: {  	s25 =	simm.s32 $0x1B8E;
	[sflag:s24] =	ssyncadd.s32 $0xFFFFFFFF  }
0xa7: {  	s26 =	simm.s32 $execute0_lowered;
	[smem:$0x3FD2] =	sst s25  }
0xa8: {  	s6 =	sshll.u32 s26, $0x1;
	_ =	strace $0x80000046;
	[dreg:$0x1] =	wrdreg $0xFFFFFFFF  }
0xa9: {  	s28 =	simm.s32 $_size_execute0_lowered;
	s5 =	sadd.s32 s5, s6;
	[dreg:$0x0] =	wrdreg $0x0  }
0xaa: {  	s6 =	sshll.u32 s28, $0x1;
	[dreg:$0x2] =	wrdreg s5  }
0xab: {  	[dreg:$0x3] =	wrdreg s6  }
0xac: {  	[dreg:$0x4] =	wrdreg $0xC0  }
0xad: {  	_ =	task [dreg:s9], $0x5FFFF  }
0xae: {  	[dreg:$0x1] =	wrdreg $0xFFFFFFFF  }
0xaf: {  	[dreg:$0x0] =	wrdreg $0x60  }
0xb0: {  	[dreg:$0x2] =	wrdreg s2  }
0xb1: {  	[dreg:$0x3] =	wrdreg s19  }
0xb2: {  	[dreg:$0x4] =	wrdreg s4  }
0xb3: {  	[dreg:$0x5] =	wrdreg $0xCA800  }
0xb4: {  	[dreg:$0x6] =	wrdreg $0x9  }
0xb5: {  	_ =	task.clear_ibuf [dreg:s9], $0x7FFFF;
	_ =	strace $0x90000046  }
0xb6: {  	s29 =	simm.s32 $0x9;
	_ =	strace $0x80000048  }
0xb7: {  	_ =	swait.ge [sflag:s29], $0x1  }
0xb8: {  	[sflag:s29] =	ssyncadd.s32 $0xFFFFFFFF  }
0xb9: {  	_ =	strace $0x90000048  }
0xba: {  	_ =	sfence  }
0xbb: {  	s30 =	sld [smem:$0x0];
	_ =	sdelay $0x2  }
0xbc: {  	s31 =	sshll.u32 s1, $0xD;
	s1 =	sshrl.u32 s1, $0x2  }
0xbd: {  	s3 =	sand.u32 $0x4000, s31;
	s1 =	sadd.s32 s1, s30  }
0xbe: {  	s0 =	sor.u32 s3, s0;
	s1 =	sshll.u32 s1, $0x11  }
0xbf: {  	s0 =	sor.u32 s1, s0  }
0xc0: {  	s0 =	sadd.s32 $0x8F2B, s0  }
0xc1: {  	[sflag:s0] =	ssyncadd.remote.s32 $0x1  }
0xc2: {  	_ =	sfence.sel $0xFFFF  }
0xc3: {  	[dreg:$0x0] =	wrdreg $0xFFFFFFFF;
	(pc) =	sbr.abs _section_cstart, $3  }
0xc4: {  	[dreg:$0x1] =	wrdreg $0xFFFFFFFF  }
0xc5: {  	_ =	task.clear_ibuf [dreg:s9], $0x2FFFF;
	_ =	strace $0x9FFFFFFF  }
0xc6: {  	(tm) =	ssettm $0x7FFFFFFF  }
0xc7: {  	_ =	shalt  }
tec
execute0_lowered:
.L_overlay_start_1:
0x0: {  	(tag) =	ssettag $0x1  }
0x1: {  	s15 =	rddreg [dreg:$0x0]  }
0x2: {  	s12 =	rddreg [dreg:$0x2]  }
0x3: {  	s4 =	rddreg [dreg:$0x3];
	s1 =	stileid.u32  }
0x4: {  	s2 =	srdreg.scid;
	s5 =	simm.s32 $0x0;
	s25 =	smul.u32 $0x271000, s1  }
0x5: {  	s29 =	simm.s32 $0x80;
	s2 =	sand.u32 $0x1, s2;
	s14 =	smul.u32 $0x4E20, s1  }
0x6: {  	s30 =	simm.s32 $0x50;
	s3 =	sshll.u32 s1, $0x1;
	s28 =	smul.u32 $0x138800, s2  }
0x7: {  	s7 =	ssub.s32 $0x2, s2;
	s3 =	sor.u32 s2, s3;
	s2 =	smul.u32 $0x2710, s2  }
0x8: {  	[smem:$0x7FF] =	sst s5;
	p0 =	sne.s32 s1, $0x0;
	s6 =	smul.u32 $0x2710, s3  }
0x9: {  	_ =	strace $0x80000047;
	s8 =	sshrl.u32 s7, $0x1;
	s22 =	smul.u32 $0x27100, s3  }
0xa: {  	s3 =	smul.u32 $0x138800, s3;
	s7 =	ssub.s32 s7, s8;
	s2 =	sadd.s32 s2, s14  }
0xb: {  	s19 =	sshrl.u32 s6, $0x3;
	s9 =	sadd.s32 $0x50, s6;
	s10 =	sadd.s32 $0xA0, s6  }
0xc: {  	s3 =	sshrl.u32 s3, $0x3;
	s0 =	sadd.s32 s15, s19;
	s20 =	sshrl.u32 s9, $0x3  }
0xd: {  	s11 =	sshrl.u32 s10, $0x3;
	s8 =	sadd.s32 s15, s20;
	[dreg:$0x9] =	wrdreg s0  }
0xe: {  	s26 =	sshll.u32 s9, $0x4;
	s21 =	sadd.s32 s15, s11;
	[dreg:$0xa] =	wrdreg s8  }
0xf: {  	s10 =	sshll.u32 s10, $0x4;
	s23 =	sadd.s32 $0x1E, s0;
	[dreg:$0xb] =	wrdreg s21  }
0x10: {  	s9 =	sadd.s32 s28, s25;
	s24 =	sadd.s32 $0x28, s0;
	[dreg:$0xc] =	wrdreg s23  }
0x11: {  	s3 =	sadd.s32 s12, s3;
	s13 =	sadd.s32 $0x32, s0;
	[dreg:$0xd] =	wrdreg s24  }
0x12: {  	s31 =	sadd.s32 $0x3C, s0;
	s0 =	sadd.s32 $0x46, s0;
	[dreg:$0xf] =	wrdreg s13  }
0x13: {  	s16 =	sadd.s32 $0x26700, s3;
	s17 =	sadd.s32 $0xF000, s9;
	[dreg:$0x11] =	wrdreg s31  }
0x14: {  	s18 =	sadd.s32 $0xA000, s9;
	s19 =	sadd.s32 $0x26C00, s3;
	[dreg:$0x13] =	wrdreg s0  }
0x15: {  	s25 =	sadd.s32 $0x7800, s9;
	s11 =	simm.s32 $0x280;
	[dreg:$0x14] =	wrdreg s16  }
0x16: {  	s8 =	sadd.s32 s12, s22;
	s13 =	sadd.s32 $0x11800, s9;
	[dreg:$0x15] =	wrdreg s19  }
0x17: {  	s21 =	sshrl.u32 s18, $0x3;
	s22 =	smax.u32 s7, $0x1;
	s24 =	sadd.s32 $0x2D0, s2  }
0x18: {  	s2 =	sadd.s32 $0x280, s2;
	s3 =	sshrl.u32 s25, $0x3;
	[dreg:$0xe] =	wrdreg s8  }
0x19: {  	s31 =	sadd.s32 $0xC800, s9;
	s18 =	simm.s32 $0x4;
	[dreg:$0x16] =	wrdreg s22  }
0x1a: {  	s8 =	sadd.s32 s12, s26;
	s23 =	sadd.s32 s21, s12;
	[dreg:$0x19] =	wrdreg s31  }
0x1b: {  	s7 =	sshrl.u32 s24, $0x3;
	s2 =	sshrl.u32 s2, $0x3;
	[dreg:$0x10] =	wrdreg s8  }
0x1c: {  	s3 =	sadd.s32 s3, s12;
	s22 =	simm.s32 $0x8;
	[dreg:$0x7] =	wrdreg s23  }
0x1d: {  	s8 =	sadd.s32 s12, s10;
	s26 =	sadd.s32 s7, s15;
	[dreg:$0x8] =	wrdreg s3  }
0x1e: {  	s28 =	sadd.s32 s2, s15;
	s10 =	simm.s32 $0x200;
	[dreg:$0x12] =	wrdreg s8  }
0x1f: {  	s7 =	simm.s32 $0x5;
	s8 =	sshrl.u32 s13, $0x3;
	[dreg:$0x17] =	wrdreg s26  }
0x20: {  	s23 =	simm.s32 $0xF;
	[dreg:$0x18] =	wrdreg s28;
	s8 =	sadd.s32 s8, s12  }
0x21: {  	s3 =	simm.s32 $0x0;
	[dreg:$0x5] =	wrdreg s8;
	s8 =	sshrl.u32 s17, $0x3  }
0x22: {  	s13 =	simm.s32 $0x2A80;
	s17 =	simm.s32 $0x6;
	s20 =	sadd.s32 s8, s12  }
0x23: {  	s8 =	simm.s32 $0x180;
	[dreg:$0x6] =	wrdreg s20;
	s20 =	simm.s32 $0x7  }
.LBB2_1:
0x24: {  	[dreg:$0x1a] =	wrdreg s3  }
0x25: {  	s2 =	sshrl.u32 @!p0 s4, $0x3;
	s3 =	simm.s32 @!p0 $0x1C10;
	s9 =	rddreg [dreg:$0x1]  }
0x26: {  	[spmem:s2], [sflag:s3] =	dma.local @!p0 [hbm:s9], $0x640  }
0x27: {  	s2 =	simm.s32 @!p0 $0x10  }
0x28: {  	_ =	swait.ge @!p0 [sflag:s2], $0x640  }
0x29: {  	[sflag:s2] =	ssyncset.done @!p0 $0x0  }
0x2a: {  	[sflag:s2] =	ssyncadd.s32 @!p0 $0xFFFFF9C0  }
0x2b: {  	[bflag:$0x0] =	sbarrier.arrive $0xFFFF  }
0x2c: {  	s0 =	rddreg [dreg:$0x9]  }
0x2d: {  	[tilespmem:s5], [sflag:$0x1] =	stream.linear.gather [hbm4b:s0+s5], $0x50, $0x38;
	[tilespmem:$0xCDA0] =	vst v63  }
0x2e: {  	s25 =	rddreg [dreg:$0xa]  }
0x2f: {  	[tilespmem:s29], [sflag:$0x2] =	stream.linear.gather [hbm4b:s25+s5], $0x50, $0x38;
	[tilespmem:$0xCDA0] =	vst v63  }
0x30: {  	s1 =	simm.s32 $0x100;
	s26 =	rddreg [dreg:$0xb]  }
0x31: {  	[tilespmem:s1], [sflag:$0x3] =	stream.linear.gather [hbm4b:s26+s5], $0x50, $0x38;
	[tilespmem:$0xCDA0] =	vst v63  }
0x32: {  	s2 =	rddreg [dreg:$0xc]  }
0x33: {  	[tilespmem:s8], [sflag:$0x4] =	stream.linear.gather [hbm4b:s2+s5], $0x50, $0x38;
	[tilespmem:$0xCDA0] =	vst v63  }
0x34: {  	s3 =	rddreg [dreg:$0xd];
	s2 =	simm.s32 $0x1  }
0x35: {  	[tilespmem:s10], [sflag:$0x5] =	stream.linear.gather [hbm4b:s3+s5], $0x50, $0x38;
	[tilespmem:$0xCDA0] =	vst v63  }
0x36: {  	_ =	swait.ge [sflag:s2], $0x50  }
0x37: {  	[sflag:s2] =	ssyncset.done $0x0  }
0x38: {  	s3 =	simm.s32 $0x2;
	[sflag:s2] =	ssyncadd.s32 $0xFFFFFFB0  }
0x39: {  	[tilespmem:s11], [sflag:$0x6] =	stream.indirect.gather [spmem:s4], $0x80, s5, s30, $0xb8;
	[tilespmem:$0xCDA0] =	vst v63  }
0x3a: {  	_ =	swait.ge [sflag:s3], $0x50  }
0x3b: {  	[sflag:s3] =	ssyncset.done $0x0  }
0x3c: {  	s14 =	simm.s32 $0x3;
	[sflag:s3] =	ssyncadd.s32 $0xFFFFFFB0  }
0x3d: {  	[tilespmem:s13], [sflag:$0x7] =	stream.indirect.gather [spmem:s4], $0x80, s29, s30, $0xb8;
	[tilespmem:$0xCDA0] =	vst v63  }
0x3e: {  	_ =	swait.ge [sflag:s14], $0x50  }
0x3f: {  	[sflag:s14] =	ssyncset.done $0x0  }
0x40: {  	s16 =	simm.s32 $0x5280;
	[sflag:s14] =	ssyncadd.s32 $0xFFFFFFB0  }
0x41: {  	[tilespmem:s16], [sflag:$0x8] =	stream.indirect.gather [spmem:s4], $0x80, s1, s30, $0xb8;
	[tilespmem:$0xCDA0] =	vst v63  }
0x42: {  	_ =	swait.ge [sflag:s17], $0x2800  }
0x43: {  	[sflag:s17] =	ssyncset.done $0x0  }
0x44: {  	s9 =	rddreg [dreg:$0xe];
	[sflag:s17] =	ssyncadd.s32 $0xFFFFD800  }
0x45: {  	[hbm4b:s9+s5] =	stream.linear.scatter [tilespmem:s11], [sflag:$0xB], $0x2800, $0x38;
	[tilespmem:$0xCDA0] =	vst v63  }
0x46: {  	s19 =	rddreg [dreg:$0xf]  }
0x47: {  	[tilespmem:s5], [sflag:$0x1] =	stream.linear.gather [hbm4b:s19+s5], $0x50, $0x38;
	[tilespmem:$0xCDA0] =	vst v63  }
0x48: {  	_ =	swait.ge [sflag:s18], $0x50  }
0x49: {  	[sflag:s18] =	ssyncset.done $0x0  }
0x4a: {  	s19 =	simm.s32 $0x7A80;
	[sflag:s18] =	ssyncadd.s32 $0xFFFFFFB0  }
0x4b: {  	[tilespmem:s19], [sflag:$0x9] =	stream.indirect.gather [spmem:s4], $0x80, s8, s30, $0xb8;
	[tilespmem:$0xCDA0] =	vst v63  }
0x4c: {  	_ =	swait.ge [sflag:s20], $0x2800  }
0x4d: {  	[sflag:s20] =	ssyncset.done $0x0  }
0x4e: {  	s21 =	rddreg [dreg:$0x10];
	[sflag:s20] =	ssyncadd.s32 $0xFFFFD800  }
0x4f: {  	[hbm4b:s21+s5] =	stream.linear.scatter [tilespmem:s13], [sflag:$0xC], $0x2800, $0x38;
	[tilespmem:$0xCDA0] =	vst v63  }
0x50: {  	s24 =	rddreg [dreg:$0x11]  }
0x51: {  	[tilespmem:s29], [sflag:$0x2] =	stream.linear.gather [hbm4b:s24+s5], $0x50, $0x38;
	[tilespmem:$0xCDA0] =	vst v63  }
0x52: {  	_ =	swait.ge [sflag:s7], $0x50  }
0x53: {  	[sflag:s7] =	ssyncset.done $0x0  }
0x54: {  	s21 =	simm.s32 $0xA280;
	[sflag:s7] =	ssyncadd.s32 $0xFFFFFFB0  }
0x55: {  	[tilespmem:s21], [sflag:$0xA] =	stream.indirect.gather [spmem:s4], $0x80, s10, s30, $0xb8;
	[tilespmem:$0xCDA0] =	vst v63  }
0x56: {  	_ =	swait.ge [sflag:s22], $0x2800  }
0x57: {  	[sflag:s22] =	ssyncset.done $0x0  }
0x58: {  	s25 =	rddreg [dreg:$0x12];
	[sflag:s22] =	ssyncadd.s32 $0xFFFFD800  }
0x59: {  	[hbm4b:s25+s5] =	stream.linear.scatter [tilespmem:s16], [sflag:$0xD], $0x2800, $0x38;
	[tilespmem:$0xCDA0] =	vst v63  }
0x5a: {  	s26 =	rddreg [dreg:$0x13]  }
0x5b: {  	[tilespmem:s1], [sflag:$0x3] =	stream.linear.gather [hbm4b:s26+s5], $0x50, $0x38;
	[tilespmem:$0xCDA0] =	vst v63  }
0x5c: {  	_ =	swait.ge [sflag:s2], $0x50  }
0x5d: {  	[sflag:s2] =	ssyncset.done $0x0  }
0x5e: {  	s9 =	simm.s32 $0xB;
	[sflag:s2] =	ssyncadd.s32 $0xFFFFFFB0  }
0x5f: {  	_ =	swait.ge [sflag:s9], $0x2800  }
0x60: {  	[sflag:s9] =	ssyncset.done $0x0  }
0x61: {  	s24 =	simm.s32 $0x9;
	[sflag:s9] =	ssyncadd.s32 $0xFFFFD800  }
0x62: {  	[tilespmem:s11], [sflag:$0x6] =	stream.indirect.gather [spmem:s4], $0x80, s5, s30, $0xb8;
	[tilespmem:$0xCDA0] =	vst v63  }
0x63: {  	_ =	swait.ge [sflag:s24], $0x2800  }
0x64: {  	s25 =	rddreg [dreg:$0x8];
	[sflag:s24] =	ssyncset.done $0x0  }
0x65: {  	[sflag:s24] =	ssyncadd.s32 $0xFFFFD800;
	s2 =	sadd.s32 $0x0, s25  }
0x66: {  	[hbm4b:s2+s5] =	stream.linear.scatter [tilespmem:s19], [sflag:$0xE], $0x2800, $0x38;
	[tilespmem:$0xCDA0] =	vst v63  }
0x67: {  	s9 =	rddreg [dreg:$0x18]  }
0x68: {  	[tilespmem:s8], [sflag:$0x4] =	stream.linear.gather [hbm4b:s9+s5], $0x50, $0x38;
	[tilespmem:$0xCDA0] =	vst v63  }
0x69: {  	_ =	swait.ge [sflag:s3], $0x50  }
0x6a: {  	[sflag:s3] =	ssyncset.done $0x0  }
0x6b: {  	s26 =	simm.s32 $0xC;
	[sflag:s3] =	ssyncadd.s32 $0xFFFFFFB0  }
0x6c: {  	_ =	swait.ge [sflag:s26], $0x2800  }
0x6d: {  	[sflag:s26] =	ssyncset.done $0x0  }
0x6e: {  	s2 =	simm.s32 $0xA;
	[sflag:s26] =	ssyncadd.s32 $0xFFFFD800  }
0x6f: {  	[tilespmem:s13], [sflag:$0x7] =	stream.indirect.gather [spmem:s4], $0x80, s29, s30, $0xb8;
	[tilespmem:$0xCDA0] =	vst v63  }
0x70: {  	_ =	swait.ge [sflag:s2], $0x2800  }
0x71: {  	s3 =	rddreg [dreg:$0x7];
	[sflag:s2] =	ssyncset.done $0x0  }
0x72: {  	[sflag:s2] =	ssyncadd.s32 $0xFFFFD800;
	s2 =	sadd.s32 $0x0, s3  }
0x73: {  	[hbm4b:s2+s5] =	stream.linear.scatter [tilespmem:s21], [sflag:$0xF], $0x2800, $0x38;
	[tilespmem:$0xCDA0] =	vst v63  }
0x74: {  	s26 =	rddreg [dreg:$0x17]  }
0x75: {  	[tilespmem:s10], [sflag:$0x5] =	stream.linear.gather [hbm4b:s26+s5], $0x50, $0x38;
	[tilespmem:$0xCDA0] =	vst v63  }
0x76: {  	_ =	swait.ge [sflag:s14], $0x50  }
0x77: {  	[sflag:s14] =	ssyncset.done $0x0  }
0x78: {  	[sflag:s14] =	ssyncadd.s32 $0xFFFFFFB0;
	s14 =	simm.s32 $0xD  }
0x79: {  	_ =	swait.ge [sflag:s14], $0x2800  }
0x7a: {  	[sflag:s14] =	ssyncset.done $0x0  }
0x7b: {  	[sflag:s14] =	ssyncadd.s32 $0xFFFFD800  }
0x7c: {  	[tilespmem:s16], [sflag:$0x8] =	stream.indirect.gather [spmem:s4], $0x80, s1, s30, $0xb8;
	[tilespmem:$0xCDA0] =	vst v63  }
0x7d: {  	p1 =	por $0x0, $0x0;
	s2 =	simm.s32 $0x320;
	_ =	swait.ge [sflag:s17], $0x2800  }
0x7e: {  	s2 =	simm.s32 @p1 $0x2580;
	s25 =	rddreg [dreg:$0x19]  }
0x7f: {  	s2 =	sadd.s32 s6, s2;
	[sflag:s17] =	ssyncset.done $0x0;
	s16 =	sshrl.u32 s25, $0x3  }
0x80: {  	s2 =	sshrl.u32 s2, $0x3;
	[sflag:s17] =	ssyncadd.s32 $0xFFFFD800;
	s3 =	sadd.s32 s12, s16  }
0x81: {  	[hbm4b:s3+s5] =	stream.linear.scatter [tilespmem:s11], [sflag:$0xB], $0x2800, $0x38;
	[tilespmem:$0xCDA0] =	vst v63  }
0x82: {  	s2 =	sadd.s32 s15, s2  }
0x83: {  	[tilespmem:s5], [sflag:$0x1] =	stream.linear.gather [hbm4b:s2+s5], $0x50, $0x38;
	[tilespmem:$0xCDA0] =	vst v63  }
0x84: {  	_ =	swait.ge [sflag:s18], $0x50  }
0x85: {  	[sflag:s18] =	ssyncset.done $0x0  }
0x86: {  	[sflag:s18] =	ssyncadd.s32 $0xFFFFFFB0;
	s18 =	simm.s32 $0xE  }
0x87: {  	_ =	swait.ge [sflag:s18], $0x2800  }
0x88: {  	[sflag:s18] =	ssyncset.done $0x0  }
0x89: {  	s2 =	simm.s32 $0x370;
	[sflag:s18] =	ssyncadd.s32 $0xFFFFD800  }
0x8a: {  	[tilespmem:s19], [sflag:$0x9] =	stream.indirect.gather [spmem:s4], $0x80, s8, s30, $0xb8;
	[tilespmem:$0xCDA0] =	vst v63  }
0x8b: {  	s2 =	simm.s32 @p1 $0x25D0;
	_ =	swait.ge [sflag:s20], $0x2800  }
0x8c: {  	s2 =	sadd.s32 s6, s2;
	s24 =	rddreg [dreg:$0x6];
	[sflag:s20] =	ssyncset.done $0x0  }
0x8d: {  	s2 =	sshrl.u32 s2, $0x3;
	[sflag:s20] =	ssyncadd.s32 $0xFFFFD800;
	s3 =	sadd.s32 $0x0, s24  }
0x8e: {  	[hbm4b:s3+s5] =	stream.linear.scatter [tilespmem:s13], [sflag:$0xC], $0x2800, $0x38;
	[tilespmem:$0xCDA0] =	vst v63  }
0x8f: {  	s28 =	simm.s32 $0x0;
	s2 =	sadd.s32 s15, s2  }
0x90: {  	[tilespmem:s29], [sflag:$0x2] =	stream.linear.gather [hbm4b:s2+s5], $0x50, $0x38;
	[tilespmem:$0xCDA0] =	vst v63  }
0x91: {  	s0 =	smov.u32 s12;
	s14 =	simm.s32 $0x2A80;
	_ =	swait.ge [sflag:s7], $0x50  }
0x92: {  	s25 =	sadd.s32 $0xC800, s25;
	s12 =	simm.s32 $0x550;
	[sflag:s7] =	ssyncset.done $0x0  }
0x93: {  	s11 =	simm.s32 $0x200;
	s2 =	simm.s32 $0x3C0;
	[sflag:s7] =	ssyncadd.s32 $0xFFFFFFB0  }
0x94: {  	s18 =	simm.s32 $0x6;
	s2 =	simm.s32 @p1 $0x2620;
	_ =	swait.ge [sflag:s23], $0x2800  }
0x95: {  	s19 =	simm.s32 $0x4;
	s2 =	sadd.s32 s6, s2;
	[sflag:s23] =	ssyncset.done $0x0  }
0x96: {  	s13 =	simm.s32 $0x280;
	s24 =	sshrl.u32 s2, $0x3;
	[sflag:s23] =	ssyncadd.s32 $0xFFFFD800  }
0x97: {  	[tilespmem:s21], [sflag:$0xA] =	stream.indirect.gather [spmem:s4], $0x80, s10, s30, $0xb8;
	[tilespmem:$0xCDA0] =	vst v63  }
0x98: {  	s7 =	simm.s32 $0x5;
	s31 =	sadd.s32 s15, s24;
	_ =	swait.ge [sflag:s22], $0x2800  }
0x99: {  	s24 =	sadd.s32 $0x32, s9;
	s10 =	simm.s32 $0x180;
	[sflag:s22] =	ssyncset.done $0x0  }
0x9a: {  	s21 =	simm.s32 $0x1900;
	s2 =	rddreg [dreg:$0x5];
	[sflag:s22] =	ssyncadd.s32 $0xFFFFD800  }
.LBB2_2:
0x9b: {  	s9 =	smov.u32 s21;
	s2 =	sadd.s32 s28, s2;
	s16 =	simm.s32 $0x5280  }
0x9c: {  	[hbm4b:s2+s5] =	stream.linear.scatter [tilespmem:s16], [sflag:$0xD], $0x2800, $0x38;
	[tilespmem:$0xCDA0] =	vst v63  }
0x9d: {  	s1 =	simm.s32 $0x100;
	s28 =	smov.u32 s9;
	s9 =	simm.s32 $0x1  }
0x9e: {  	[tilespmem:s1], [sflag:$0x3] =	stream.linear.gather [hbm4b:s31+s5], $0x50, $0x38;
	[tilespmem:$0xCDA0] =	vst v63  }
0x9f: {  	_ =	swait.ge [sflag:s9], $0x50  }
0xa0: {  	[sflag:s9] =	ssyncset.done $0x0  }
0xa1: {  	s17 =	simm.s32 $0xB;
	[sflag:s9] =	ssyncadd.s32 $0xFFFFFFB0  }
0xa2: {  	_ =	swait.ge [sflag:s17], $0x2800  }
0xa3: {  	[sflag:s17] =	ssyncset.done $0x0  }
0xa4: {  	s3 =	simm.s32 $0x9;
	[sflag:s17] =	ssyncadd.s32 $0xFFFFD800  }
0xa5: {  	[tilespmem:s13], [sflag:$0x6] =	stream.indirect.gather [spmem:s4], $0x80, s5, s30, $0xb8;
	[tilespmem:$0xCDA0] =	vst v63  }
0xa6: {  	_ =	swait.ge [sflag:s3], $0x2800  }
0xa7: {  	s20 =	rddreg [dreg:$0x8];
	[sflag:s3] =	ssyncset.done $0x0  }
0xa8: {  	[sflag:s3] =	ssyncadd.s32 $0xFFFFD800;
	s2 =	sadd.s32 s28, s20;
	s20 =	simm.s32 $0x7A80  }
0xa9: {  	[hbm4b:s2+s5] =	stream.linear.scatter [tilespmem:s20], [sflag:$0xE], $0x2800, $0x38;
	[tilespmem:$0xCDA0] =	vst v63  }
0xaa: {  	s22 =	simm.s32 $0x2  }
0xab: {  	[tilespmem:s10], [sflag:$0x4] =	stream.linear.gather [hbm4b:s24+s5], $0x50, $0x38;
	[tilespmem:$0xCDA0] =	vst v63  }
0xac: {  	_ =	swait.ge [sflag:s22], $0x50  }
0xad: {  	[sflag:s22] =	ssyncset.done $0x0  }
0xae: {  	s3 =	simm.s32 $0xC;
	[sflag:s22] =	ssyncadd.s32 $0xFFFFFFB0  }
0xaf: {  	_ =	swait.ge [sflag:s3], $0x2800  }
0xb0: {  	[sflag:s3] =	ssyncset.done $0x0  }
0xb1: {  	s8 =	simm.s32 $0xA;
	[sflag:s3] =	ssyncadd.s32 $0xFFFFD800  }
0xb2: {  	[tilespmem:s14], [sflag:$0x7] =	stream.indirect.gather [spmem:s4], $0x80, s29, s30, $0xb8;
	[tilespmem:$0xCDA0] =	vst v63  }
0xb3: {  	_ =	swait.ge [sflag:s8], $0x2800  }
0xb4: {  	s9 =	rddreg [dreg:$0x7];
	[sflag:s8] =	ssyncset.done $0x0  }
0xb5: {  	s22 =	simm.s32 $0xA280;
	[sflag:s8] =	ssyncadd.s32 $0xFFFFD800;
	s2 =	sadd.s32 s28, s9  }
0xb6: {  	[hbm4b:s2+s5] =	stream.linear.scatter [tilespmem:s22], [sflag:$0xF], $0x2800, $0x38;
	[tilespmem:$0xCDA0] =	vst v63  }
0xb7: {  	s26 =	sadd.s32 $0x32, s26;
	s17 =	simm.s32 $0x3  }
0xb8: {  	[tilespmem:s11], [sflag:$0x5] =	stream.linear.gather [hbm4b:s26+s5], $0x50, $0x38;
	[tilespmem:$0xCDA0] =	vst v63  }
0xb9: {  	_ =	swait.ge [sflag:s17], $0x50  }
0xba: {  	[sflag:s17] =	ssyncset.done $0x0  }
0xbb: {  	s8 =	simm.s32 $0xD;
	[sflag:s17] =	ssyncadd.s32 $0xFFFFFFB0  }
0xbc: {  	p2 =	seq.s32 s28, $0x23F00;
	_ =	swait.ge [sflag:s8], $0x2800  }
0xbd: {  	s31 =	sadd.s32 $0xFFFFFF60, s12;
	s3 =	smov.u32 s12;
	[sflag:s8] =	ssyncset.done $0x0  }
0xbe: {  	s31 =	simm.s32 @p2 $0x2580;
	s3 =	simm.s32 @p2 $0x2620;
	[sflag:s8] =	ssyncadd.s32 $0xFFFFD800  }
0xbf: {  	[tilespmem:s16], [sflag:$0x8] =	stream.indirect.gather [spmem:s4], $0x80, s1, s30, $0xb8;
	[tilespmem:$0xCDA0] =	vst v63  }
0xc0: {  	s29 =	smov.u32 s15;
	s2 =	sshrl.u32 s25, $0x3;
	_ =	swait.ge [sflag:s18], $0x2800  }
0xc1: {  	s15 =	sadd.s32 s6, s31;
	s2 =	sadd.s32 s0, s2;
	[sflag:s18] =	ssyncset.done $0x0  }
0xc2: {  	s1 =	sshrl.u32 s15, $0x3;
	s15 =	smov.u32 s29;
	[sflag:s18] =	ssyncadd.s32 $0xFFFFD800  }
0xc3: {  	[hbm4b:s2+s5] =	stream.linear.scatter [tilespmem:s13], [sflag:$0xB], $0x2800, $0x38;
	[tilespmem:$0xCDA0] =	vst v63  }
0xc4: {  	s31 =	sadd.s32 s6, s3;
	s3 =	sadd.s32 s15, s1  }
0xc5: {  	[tilespmem:s5], [sflag:$0x1] =	stream.linear.gather [hbm4b:s3+s5], $0x50, $0x38;
	[tilespmem:$0xCDA0] =	vst v63  }
0xc6: {  	_ =	swait.ge [sflag:s19], $0x50  }
0xc7: {  	[sflag:s19] =	ssyncset.done $0x0  }
0xc8: {  	s2 =	simm.s32 $0xE;
	[sflag:s19] =	ssyncadd.s32 $0xFFFFFFB0  }
0xc9: {  	_ =	swait.ge [sflag:s2], $0x2800  }
0xca: {  	[sflag:s2] =	ssyncset.done $0x0  }
0xcb: {  	s9 =	sadd.s32 $0xFFFFFFB0, s12;
	[sflag:s2] =	ssyncadd.s32 $0xFFFFD800  }
0xcc: {  	[tilespmem:s20], [sflag:$0x9] =	stream.indirect.gather [spmem:s4], $0x80, s10, s30, $0xb8;
	[tilespmem:$0xCDA0] =	vst v63  }
0xcd: {  	s9 =	simm.s32 @p2 $0x25D0;
	s20 =	simm.s32 $0x7  }
0xce: {  	s9 =	sadd.s32 s6, s9;
	_ =	swait.ge [sflag:s20], $0x2800  }
0xcf: {  	s3 =	sshrl.u32 s9, $0x3;
	[sflag:s20] =	ssyncset.done $0x0;
	s9 =	rddreg [dreg:$0x6]  }
0xd0: {  	s2 =	sadd.s32 s15, s3;
	[sflag:s20] =	ssyncadd.s32 $0xFFFFD800;
	s3 =	sadd.s32 s28, s9  }
0xd1: {  	[hbm4b:s3+s5] =	stream.linear.scatter [tilespmem:s14], [sflag:$0xC], $0x2800, $0x38;
	[tilespmem:$0xCDA0] =	vst v63  }
0xd2: {  	s29 =	simm.s32 $0x80  }
0xd3: {  	[tilespmem:s29], [sflag:$0x2] =	stream.linear.gather [hbm4b:s2+s5], $0x50, $0x38;
	[tilespmem:$0xCDA0] =	vst v63  }
0xd4: {  	_ =	swait.ge [sflag:s7], $0x50  }
0xd5: {  	[sflag:s7] =	ssyncset.done $0x0  }
0xd6: {  	[sflag:s7] =	ssyncadd.s32 $0xFFFFFFB0  }
0xd7: {  	_ =	swait.ge [sflag:s23], $0x2800  }
0xd8: {  	[sflag:s23] =	ssyncset.done $0x0  }
0xd9: {  	p1 =	sne.s32 s21, $0x23F00;
	s21 =	sadd.s32 $0x1900, s21;
	[sflag:s23] =	ssyncadd.s32 $0xFFFFD800  }
0xda: {  	[tilespmem:s22], [sflag:$0xA] =	stream.indirect.gather [spmem:s4], $0x80, s11, s30, $0xb8;
	[tilespmem:$0xCDA0] =	vst v63  }
.Ltmp0:
0xdb: {  	s24 =	sadd.s32 $0x32, s24;
	s12 =	sadd.s32 $0x190, s12;
	(pc) =	sbr.rel @p1 .LBB2_2-.Ltmp0, $4  }
0xdc: {  	s25 =	sadd.s32 $0xC800, s25;
	s17 =	simm.s32 $0x5280;
	s22 =	simm.s32 $0x8  }
0xdd: {  	s8 =	simm.s32 $0x100;
	s16 =	sshrl.u32 s31, $0x3;
	_ =	swait.ge [sflag:s22], $0x2800  }
0xde: {  	s1 =	simm.s32 $0x7A80;
	s31 =	sadd.s32 s15, s16;
	[sflag:s22] =	ssyncset.done $0x0  }
0xdf: {  	s9 =	simm.s32 $0xA280;
	s2 =	rddreg [dreg:$0x5];
	[sflag:s22] =	ssyncadd.s32 $0xFFFFD800  }
0xe0: {  	s2 =	sadd.s32 s28, s2  }
0xe1: {  	[hbm4b:s2+s5] =	stream.linear.scatter [tilespmem:s17], [sflag:$0xD], $0x2800, $0x38;
	[tilespmem:$0xCDA0] =	vst v63  }
0xe2: {  	s13 =	simm.s32 $0x9  }
0xe3: {  	[tilespmem:s8], [sflag:$0x3] =	stream.linear.gather [hbm4b:s31+s5], $0x50, $0x38;
	[tilespmem:$0xCDA0] =	vst v63  }
0xe4: {  	_ =	swait.ge [sflag:s13], $0x2800  }
0xe5: {  	[sflag:s13] =	ssyncset.done $0x0  }
0xe6: {  	s16 =	simm.s32 $0xA;
	s14 =	rddreg [dreg:$0x14];
	[sflag:s13] =	ssyncadd.s32 $0xFFFFD800  }
0xe7: {  	[hbm4b:s14+s5] =	stream.linear.scatter [tilespmem:s1], [sflag:$0xE], $0x2800, $0x38;
	[tilespmem:$0xCDA0] =	vst v63  }
0xe8: {  	_ =	swait.ge [sflag:s16], $0x2800  }
0xe9: {  	[sflag:s16] =	ssyncset.done $0x0  }
0xea: {  	s18 =	simm.s32 $0xB;
	s17 =	rddreg [dreg:$0x15];
	[sflag:s16] =	ssyncadd.s32 $0xFFFFD800  }
0xeb: {  	[hbm4b:s17+s5] =	stream.linear.scatter [tilespmem:s9], [sflag:$0xF], $0x2800, $0x38;
	[tilespmem:$0xCDA0] =	vst v63  }
0xec: {  	_ =	swait.ge [sflag:s18], $0x2800  }
0xed: {  	[sflag:s18] =	ssyncset.done $0x0  }
0xee: {  	s19 =	simm.s32 $0xC;
	[sflag:s18] =	ssyncadd.s32 $0xFFFFD800  }
0xef: {  	_ =	swait.ge [sflag:s19], $0x2800  }
0xf0: {  	[sflag:s19] =	ssyncset.done $0x0  }
0xf1: {  	s21 =	simm.s32 $0xD;
	[sflag:s19] =	ssyncadd.s32 $0xFFFFD800  }
0xf2: {  	_ =	swait.ge [sflag:s21], $0x2800  }
0xf3: {  	[sflag:s21] =	ssyncset.done $0x0  }
0xf4: {  	s24 =	simm.s32 $0xE;
	[sflag:s21] =	ssyncadd.s32 $0xFFFFD800  }
0xf5: {  	_ =	swait.ge [sflag:s24], $0x2800  }
0xf6: {  	[sflag:s24] =	ssyncset.done $0x0  }
0xf7: {  	[sflag:s24] =	ssyncadd.s32 $0xFFFFD800  }
0xf8: {  	_ =	swait.ge [sflag:s23], $0x2800  }
0xf9: {  	[sflag:s23] =	ssyncset.done $0x0  }
0xfa: {  	s25 =	simm.s32 $0x1;
	[sflag:s23] =	ssyncadd.s32 $0xFFFFD800  }
0xfb: {  	_ =	swait.ge [sflag:s25], $0x50  }
0xfc: {  	[sflag:s25] =	ssyncset.done $0x0  }
0xfd: {  	s26 =	simm.s32 $0x2;
	[sflag:s25] =	ssyncadd.s32 $0xFFFFFFB0  }
0xfe: {  	_ =	swait.ge [sflag:s26], $0x50  }
0xff: {  	[sflag:s26] =	ssyncset.done $0x0  }
0x100: {  	s28 =	simm.s32 $0x3;
	[sflag:s26] =	ssyncadd.s32 $0xFFFFFFB0  }
0x101: {  	_ =	swait.ge [sflag:s28], $0x50  }
0x102: {  	s3 =	rddreg [dreg:$0x1a]  }
0x103: {  	s31 =	rddreg [dreg:$0x16];
	s3 =	sadd.s32 $0x1, s3  }
0x104: {  	p1 =	sne.s32 s3, s31  }
.Ltmp1:
0x105: {  	_ = 	snop;
	(pc) =	sbr.rel @p1 .LBB2_1-.Ltmp1, $4  }
0x106: {  	s12 =	smov.u32 s0  }
0x107: {  	s10 =	simm.s32 $0x200;
	s11 =	simm.s32 $0x280;
	s7 =	simm.s32 $0x5  }
0x108: {  	s8 =	simm.s32 $0x180;
	s13 =	simm.s32 $0x2A80;
	[sflag:s28] =	ssyncset.done $0x0  }
0x109: {  	s17 =	simm.s32 $0x6;
	s18 =	simm.s32 $0x4;
	[sflag:s28] =	ssyncadd.s32 $0xFFFFFFB0  }
0x10a: {  	_ =	sfence.sel $0x180000  }
0x10b: {  	[bflag:$0x0] =	sbarrier.arrive $0xFFFF  }
0x10c: {  	_ =	strace $0x90000047  }
0x10d: {  	[bflag:$0x2] =	sbarrier.arrive $0xFFFF  }
0x10e: {  	s0 =	rddreg [dreg:$0x4]  }
0x10f: {  	s0 =	sadd.s32 @!p0 $0x100000, s0  }
0x110: {  	[sflag:s0] =	ssyncadd.tile.s32 @!p0 $0x1;
	_ =	shalt  }
.Lfunc_end2:
_tile_overlayer_lowered:
.L_overlay_start_2:
0x111: {  	(tag) =	ssettag $0x2  }
0x112: {  	s0 =	rddreg [dreg:$0x0];
	s2 =	stileid.u32  }
0x113: {  	s1 =	rddreg [dreg:$0x1];
	p0 =	sne.s32 s2, $0x0  }
0x114: {  	s3 =	rddreg [dreg:$0x2];
	[bflag:$0x3] =	sbarrier.arrive $0xFFFF;
	s2 =	simm.s32 @!p0 $0x1C10  }
0x115: {  	[timem:s3], [sflag:s2] =	dma.local @!p0 [hbm:s0], s1  }
0x116: {  	s0 =	simm.s32 @!p0 $0x10  }
0x117: {  	_ =	swait.ge @!p0 [sflag:s0], s1  }
0x118: {  	s1 =	ssub.s32 @!p0 $0x0, s1;
	[sflag:s0] =	ssyncset.done @!p0 $0x0  }
0x119: {  	[sflag:s0] =	ssyncadd.s32 @!p0 s1  }
0x11a: {  	[bflag:$0x3] =	sbarrier.arrive $0xFFFF  }
0x11b: {  	_ =	shalt  }

</sc_bundles>
